<compile_context>
chip_gen: v7x
topology: tpu7x:2x2x1
jax: 0.10.2.dev20260603
libtpu: 0.0.44.dev20260713+nightly
codegen_flags: <defaults>
</compile_context>

<pallas_src>
import functools

import jax
import jax.numpy as jnp
from jax import lax
from jax.experimental import pallas as pl
from jax.experimental.pallas import tpu as pltpu
from jax.experimental.pallas import tpu_sc as plsc

_NC = 2
_NS = 16
_NW = _NC * _NS
_CHUNK = 128


def _sc_mesh():
    return plsc.VectorSubcoreMesh(core_axis_name="c", subcore_axis_name="s")


@functools.lru_cache(maxsize=None)
def _make_deg_kernel(n_pad, n_chunks):
    rows_w = n_pad // _NS

    @functools.partial(
        pl.kernel,
        out_type=jax.ShapeDtypeStruct((_NC, n_pad, 16), jnp.float32),
        mesh=_sc_mesh(),
        scratch_types=[
            pltpu.VMEM((n_chunks, _CHUNK), jnp.int32),
            pltpu.VMEM((_CHUNK, 16), jnp.float32),
            pltpu.VMEM_SHARED((n_pad, 16), jnp.float32),
        ],
        compiler_params=pltpu.CompilerParams(use_tc_tiling_on_sc=False),
    )
    def deg_kernel(dst_hbm, zeros_hbm, ones_hbm, out_hbm, idx_v, ones_v, acc):
        cid = lax.axis_index("c")
        sid = lax.axis_index("s")
        wid = sid * _NC + cid
        base = sid * rows_w
        pltpu.sync_copy(zeros_hbm.at[pl.ds(base, rows_w)],
                        acc.at[pl.ds(base, rows_w)])
        pltpu.sync_copy(ones_hbm, ones_v)
        pltpu.sync_copy(dst_hbm.at[wid], idx_v)
        plsc.subcore_barrier()

        def body(j, carry):
            pltpu.sync_copy(ones_v, acc.at[idx_v.at[j]], add=True)
            return carry

        lax.fori_loop(0, n_chunks, body, 0)
        plsc.subcore_barrier()
        pltpu.sync_copy(acc.at[pl.ds(base, rows_w)],
                        out_hbm.at[cid, pl.ds(base, rows_w)])

    return deg_kernel


@functools.lru_cache(maxsize=None)
def _make_agg_kernel(n_pad, n_chunks, d):
    rows_w = n_pad // _NS

    @functools.partial(
        pl.kernel,
        out_type=jax.ShapeDtypeStruct((_NC, n_pad, d), jnp.float32),
        mesh=_sc_mesh(),
        scratch_types=[
            pltpu.VMEM((_CHUNK,), jnp.int32),
            pltpu.VMEM((_CHUNK,), jnp.int32),
            pltpu.VMEM((_CHUNK, d), jnp.float32),
            pltpu.VMEM_SHARED((n_pad, d), jnp.float32),
            pltpu.SemaphoreType.DMA,
        ],
    )
    def agg_kernel(h_hbm, src_hbm, dst_hbm, out_hbm,
                   src_v, dst_v, rows_v, acc, sem):
        cid = lax.axis_index("c")
        sid = lax.axis_index("s")
        wid = sid * _NC + cid
        base = sid * rows_w
        pltpu.sync_copy(h_hbm.at[pl.ds(base, rows_w)],
                        acc.at[pl.ds(base, rows_w)])
        plsc.subcore_barrier()

        def body(j, carry):
            pltpu.sync_copy(src_hbm.at[wid, j], src_v)
            pltpu.sync_copy(dst_hbm.at[wid, j], dst_v)
            pltpu.async_copy(h_hbm.at[src_v], rows_v, sem).wait()
            pltpu.sync_copy(rows_v, acc.at[dst_v], add=True)
            return carry

        lax.fori_loop(0, n_chunks, body, 0)
        plsc.subcore_barrier()
        pltpu.sync_copy(acc.at[pl.ds(base, rows_w)],
                        out_hbm.at[cid, pl.ds(base, rows_w)])

    return agg_kernel


def _tc_scale(degp, x, W, block):
    n, d = x.shape

    def body(degp_ref, x_ref, w_ref, out_ref):
        deg = degp_ref[0, :, 0] + degp_ref[1, :, 0] + 1.0
        dinv = 1.0 / jnp.sqrt(deg)
        h = jnp.dot(x_ref[...], w_ref[...],
                    preferred_element_type=jnp.float32)
        out_ref[...] = h * dinv[:, None]

    return pl.pallas_call(
        body,
        grid=(n // block,),
        in_specs=[
            pl.BlockSpec((_NC, block, 16), lambda i: (0, i, 0)),
            pl.BlockSpec((block, d), lambda i: (i, 0)),
            pl.BlockSpec((d, d), lambda i: (0, 0)),
        ],
        out_specs=pl.BlockSpec((block, d), lambda i: (i, 0)),
        out_shape=jax.ShapeDtypeStruct((n, d), jnp.float32),
    )(degp, x, W)


def _tc_combine_matmul(p, h, degp, b, a2, W, block):
    n, d = h.shape

    def body(p_ref, h_ref, degp_ref, b_ref, a_ref, w_ref, out_ref):
        deg = degp_ref[0, :, 0] + degp_ref[1, :, 0] + 1.0
        dinv = (1.0 / jnp.sqrt(deg))[:, None]
        tot = p_ref[0] + p_ref[1] - h_ref[...]
        pre = tot * dinv + b_ref[...]
        act = jnp.where(pre > 0, pre, a_ref[...] * pre)
        out_ref[...] = jnp.dot(act, w_ref[...],
                               preferred_element_type=jnp.float32) * dinv

    return pl.pallas_call(
        body,
        grid=(n // block,),
        in_specs=[
            pl.BlockSpec((_NC, block, d), lambda i: (0, i, 0)),
            pl.BlockSpec((block, d), lambda i: (i, 0)),
            pl.BlockSpec((_NC, block, 16), lambda i: (0, i, 0)),
            pl.BlockSpec((1, d), lambda i: (0, 0)),
            pl.BlockSpec((1, d), lambda i: (0, 0)),
            pl.BlockSpec((d, d), lambda i: (0, 0)),
        ],
        out_specs=pl.BlockSpec((block, d), lambda i: (i, 0)),
        out_shape=jax.ShapeDtypeStruct((n, d), jnp.float32),
    )(p, h, degp, b, a2, W)


def _tc_combine_final(p, h, degp, b, a2, block):
    n, d = h.shape

    def body(p_ref, h_ref, degp_ref, b_ref, a_ref, out_ref):
        deg = degp_ref[0, :, 0] + degp_ref[1, :, 0] + 1.0
        dinv = (1.0 / jnp.sqrt(deg))[:, None]
        tot = p_ref[0] + p_ref[1] - h_ref[...]
        pre = tot * dinv + b_ref[...]
        out_ref[...] = jnp.where(pre > 0, pre, a_ref[...] * pre)

    return pl.pallas_call(
        body,
        grid=(n // block,),
        in_specs=[
            pl.BlockSpec((_NC, block, d), lambda i: (0, i, 0)),
            pl.BlockSpec((block, d), lambda i: (i, 0)),
            pl.BlockSpec((_NC, block, 16), lambda i: (0, i, 0)),
            pl.BlockSpec((1, d), lambda i: (0, 0)),
            pl.BlockSpec((1, d), lambda i: (0, 0)),
        ],
        out_specs=pl.BlockSpec((block, d), lambda i: (i, 0)),
        out_shape=jax.ShapeDtypeStruct((n, d), jnp.float32),
    )(p, h, degp, b, a2)


def kernel(x, edge_index, W1, b1, W2, b2, a):
    n, d = x.shape
    e = edge_index.shape[1]
    n_pad = (n // 128 + 1) * 128
    n_chunks = -(-e // (_NW * _CHUNK))
    if n_chunks % 2:
        n_chunks += 1
    per_worker = n_chunks * _CHUNK
    e_pad = _NW * per_worker

    src = edge_index[0].astype(jnp.int32)
    dst = edge_index[1].astype(jnp.int32)
    pad = jnp.full((e_pad - e,), n, dtype=jnp.int32)
    src_r = jnp.concatenate([src, pad]).reshape(_NW, n_chunks, _CHUNK)
    dst_r = jnp.concatenate([dst, pad]).reshape(_NW, n_chunks, _CHUNK)

    zeros16 = jnp.zeros((n_pad, 16), jnp.float32)
    ones16 = jnp.ones((_CHUNK, 16), jnp.float32)
    b1r = b1.reshape(1, d)
    b2r = b2.reshape(1, d)
    ar = a.reshape(1, d)

    deg_k = _make_deg_kernel(n_pad, n_chunks)
    agg_k = _make_agg_kernel(n_pad, n_chunks, d)
    block = 1000

    degp = deg_k(dst_r, zeros16, ones16)
    h1 = _tc_scale(degp, x, W1, block)
    h1_pad = jnp.pad(h1, ((0, n_pad - n), (0, 0)))
    p = agg_k(h1_pad, src_r, dst_r)
    h2 = _tc_combine_matmul(p, h1, degp, b1r, ar, W2, block)
    h2_pad = jnp.pad(h2, ((0, n_pad - n), (0, 0)))
    q = agg_k(h2_pad, src_r, dst_r)
    return _tc_combine_final(q, h2, degp, b2r, ar, block)

# --- scband reference (transcript-rebuilt; emitter-appended) ---
"""Pipeline reference for scband-encoder-29205777613055 (READ-ONLY COPY).

The authoritative reference and input builder live on the scoring server;
editing this copy changes nothing except your own understanding.
"""

import jax, jax.numpy as jnp
import numpy as np

N_NODES = 10000
N_EDGES = 320000
D_IN = 128
Z_DIM = 128


def setup_inputs(seed: int = 0) -> dict:
    key = jax.random.key(seed)
    k1, k2, k3, k4, k5 = jax.random.split(key, 5)
    x = jax.random.normal(k1, (N_NODES, D_IN), dtype=jnp.float32)
    edge_index = jax.random.randint(k2, (2, N_EDGES), 0, N_NODES, dtype=jnp.int64)
    # GCNConv layer 0: in_dim -> z_dim ; layer 1: in_dim -> z_dim (per buggy-but-consistent init, in_dim==z_dim)
    W1 = jax.random.normal(k3, (D_IN, Z_DIM), dtype=jnp.float32) * (1.0 / np.sqrt(D_IN))
    b1 = jnp.zeros((Z_DIM,), dtype=jnp.float32)
    W2 = jax.random.normal(k4, (Z_DIM, Z_DIM), dtype=jnp.float32) * (1.0 / np.sqrt(Z_DIM))
    b2 = jnp.zeros((Z_DIM,), dtype=jnp.float32)
    # Shared PReLU activation with per-channel slope (nn.PReLU(z_dim), init 0.25)
    a = jnp.full((Z_DIM,), 0.25, dtype=jnp.float32)
    return {"x": x, "edge_index": edge_index, "W1": W1, "b1": b1, "W2": W2, "b2": b2, "a": a}


def _gcn_conv(x, edge_index, W, b, num_nodes):
    # Standard GCNConv: add self-loops, symmetric normalization D^-1/2 (A+I) D^-1/2 X W + b
    src = edge_index[0]
    dst = edge_index[1]
    loop = jnp.arange(num_nodes, dtype=src.dtype)
    src = jnp.concatenate([src, loop])
    dst = jnp.concatenate([dst, loop])
    ew = jnp.ones(src.shape[0], dtype=x.dtype)
    deg = jnp.zeros((num_nodes,), dtype=x.dtype).at[dst].add(ew)
    dinv = jnp.where(deg > 0, 1.0 / jnp.sqrt(deg), 0.0)
    norm = dinv[src] * ew * dinv[dst]
    h = x @ W
    msg = h[src] * norm[:, None]
    out = jnp.zeros((num_nodes, W.shape[1]), dtype=x.dtype).at[dst].add(msg)
    return out + b


def _prelu(x, a):
    return jnp.where(x > 0, x, a[None, :] * x)


def reference(x, edge_index, W1, b1, W2, b2, a):
    num_nodes = x.shape[0]
    h = _gcn_conv(x, edge_index, W1, b1, num_nodes)
    h = _prelu(h, a)
    h = _gcn_conv(h, edge_index, W2, b2, num_nodes)
    h = _prelu(h, a)
    return h

if __name__ == "__main__":
    import jax
    _d = setup_inputs()
    print(jax.jit(kernel)(*tuple(_d.values())))

</pallas_src>

<mosaic_0001>
#map = affine_map<(d0, d1) -> (0, 0, 0)>
#map1 = affine_map<(d0, d1) -> (0, 0)>
module attributes {stable_mosaic.version = 14 : i64} {
  func.func @deg_kernel(%arg0: i32, %arg1: i32, %arg2: memref<32x80x128xi32, #tpu.memory_space<hbm>>, %arg3: memref<10112x16xf32, #tpu.memory_space<hbm>>, %arg4: memref<128x16xf32, #tpu.memory_space<hbm>>, %arg5: memref<2x10112x16xf32, #tpu.memory_space<hbm>>, %arg6: memref<80x128xi32, #tpu.memory_space<vmem>>, %arg7: memref<128x16xf32, #tpu.memory_space<vmem>>, %arg8: memref<10112x16xf32, #tpu.memory_space<vmem_shared>>) attributes {dimension_semantics = [#tpu.dimension_semantics<core_parallel>, #tpu.dimension_semantics<subcore_parallel>], iteration_bounds = array<i64: 2, 16>, scalar_prefetch = 0 : i64, scratch_operands = 3 : i64, tpu.core_type = #tpu.core_type<sc_vector_subcore>, window_params = [{transform_indices = #map}, {transform_indices = #map1}, {transform_indices = #map1}, {transform_indices = #map}]} {
    %mul3A = arith.constant 2 : i32
    %mul3A_0 = arith.muli %arg1, %mul3A : i32
    %add3A = arith.addi %mul3A_0, %arg0 : i32
    %mul3A_1 = arith.constant 632 : i32
    %mul3A_2 = arith.muli %arg1, %mul3A_1 : i32
    "tpu.region"() ({
      %run_scoped3A = tpu.sem_alloc : memref<!tpu.dma_semaphore, #tpu.memory_space<semaphore_mem>>
      %dma_start3A = arith.constant 0 : i32
      %dma_start3A_9 = tpu.memref_slice %arg8[%mul3A_2, %dma_start3A] : memref<10112x16xf32, #tpu.memory_space<vmem_shared>> -> memref<632x16xf32, #tpu.memory_space<vmem_shared>>
      %dma_start3A_10 = arith.constant 0 : i32
      %dma_start3A_11 = tpu.memref_slice %arg3[%mul3A_2, %dma_start3A_10] : memref<10112x16xf32, #tpu.memory_space<hbm>> -> memref<632x16xf32, #tpu.memory_space<hbm>>
      tpu.enqueue_dma source(%dma_start3A_11 : memref<632x16xf32, #tpu.memory_space<hbm>>) target(%dma_start3A_9 : memref<632x16xf32, #tpu.memory_space<vmem_shared>>) target_semaphore(%run_scoped3A : memref<!tpu.dma_semaphore, #tpu.memory_space<semaphore_mem>>)
      %dma_wait3A = arith.constant 0 : i32
      %dma_wait3A_12 = tpu.memref_slice %arg8[%mul3A_2, %dma_wait3A] : memref<10112x16xf32, #tpu.memory_space<vmem_shared>> -> memref<632x16xf32, #tpu.memory_space<vmem_shared>>
      %dma_wait3A_13 = arith.constant 0 : i32
      %dma_wait3A_14 = tpu.memref_slice %arg3[%mul3A_2, %dma_wait3A_13] : memref<10112x16xf32, #tpu.memory_space<hbm>> -> memref<632x16xf32, #tpu.memory_space<hbm>>
      tpu.wait_dma2 semaphore(%run_scoped3A : memref<!tpu.dma_semaphore, #tpu.memory_space<semaphore_mem>>) src(%dma_wait3A_14 : memref<632x16xf32, #tpu.memory_space<hbm>>) dst(%dma_wait3A_12 : memref<632x16xf32, #tpu.memory_space<vmem_shared>>)
      tpu.yield
    }) : () -> ()
    "tpu.region"() ({
      %run_scoped3A = tpu.sem_alloc : memref<!tpu.dma_semaphore, #tpu.memory_space<semaphore_mem>>
      tpu.enqueue_dma source(%arg4 : memref<128x16xf32, #tpu.memory_space<hbm>>) target(%arg7 : memref<128x16xf32, #tpu.memory_space<vmem>>) target_semaphore(%run_scoped3A : memref<!tpu.dma_semaphore, #tpu.memory_space<semaphore_mem>>)
      tpu.wait_dma2 semaphore(%run_scoped3A : memref<!tpu.dma_semaphore, #tpu.memory_space<semaphore_mem>>) src(%arg4 : memref<128x16xf32, #tpu.memory_space<hbm>>) dst(%arg7 : memref<128x16xf32, #tpu.memory_space<vmem>>)
      tpu.yield
    }) : () -> ()
    "tpu.region"() ({
      %run_scoped3A = tpu.sem_alloc : memref<!tpu.dma_semaphore, #tpu.memory_space<semaphore_mem>>
      %dma_start3A = arith.constant 0 : i32
      %dma_start3A_9 = arith.constant 0 : i32
      %dma_start3A_10 = tpu.memref_slice %arg2[%add3A, %dma_start3A, %dma_start3A_9] : memref<32x80x128xi32, #tpu.memory_space<hbm>> -> memref<1x80x128xi32, #tpu.memory_space<hbm>>
      %dma_start3A_11 = tpu.memref_squeeze %dma_start3A_10 : memref<1x80x128xi32, #tpu.memory_space<hbm>> -> memref<80x128xi32, #tpu.memory_space<hbm>>
      %dma_start3A_12 = arith.constant 0 : i32
      %dma_start3A_13 = arith.constant 0 : i32
      %dma_start3A_14 = tpu.memref_slice %arg2[%add3A, %dma_start3A_12, %dma_start3A_13] : memref<32x80x128xi32, #tpu.memory_space<hbm>> -> memref<1x80x128xi32, #tpu.memory_space<hbm>>
      %dma_start3A_15 = tpu.memref_squeeze %dma_start3A_14 : memref<1x80x128xi32, #tpu.memory_space<hbm>> -> memref<80x128xi32, #tpu.memory_space<hbm>>
      tpu.enqueue_dma source(%dma_start3A_15 : memref<80x128xi32, #tpu.memory_space<hbm>>) target(%arg6 : memref<80x128xi32, #tpu.memory_space<vmem>>) target_semaphore(%run_scoped3A : memref<!tpu.dma_semaphore, #tpu.memory_space<semaphore_mem>>)
      %dma_wait3A = arith.constant 0 : i32
      %dma_wait3A_16 = arith.constant 0 : i32
      %dma_wait3A_17 = tpu.memref_slice %arg2[%add3A, %dma_wait3A, %dma_wait3A_16] : memref<32x80x128xi32, #tpu.memory_space<hbm>> -> memref<1x80x128xi32, #tpu.memory_space<hbm>>
      %dma_wait3A_18 = tpu.memref_squeeze %dma_wait3A_17 : memref<1x80x128xi32, #tpu.memory_space<hbm>> -> memref<80x128xi32, #tpu.memory_space<hbm>>
      %dma_wait3A_19 = arith.constant 0 : i32
      %dma_wait3A_20 = arith.constant 0 : i32
      %dma_wait3A_21 = tpu.memref_slice %arg2[%add3A, %dma_wait3A_19, %dma_wait3A_20] : memref<32x80x128xi32, #tpu.memory_space<hbm>> -> memref<1x80x128xi32, #tpu.memory_space<hbm>>
      %dma_wait3A_22 = tpu.memref_squeeze %dma_wait3A_21 : memref<1x80x128xi32, #tpu.memory_space<hbm>> -> memref<80x128xi32, #tpu.memory_space<hbm>>
      tpu.wait_dma2 semaphore(%run_scoped3A : memref<!tpu.dma_semaphore, #tpu.memory_space<semaphore_mem>>) src(%dma_wait3A_22 : memref<80x128xi32, #tpu.memory_space<hbm>>) dst(%arg6 : memref<80x128xi32, #tpu.memory_space<vmem>>)
      tpu.yield
    }) : () -> ()
    %barrier3A = arith.constant 0 : index
    tpu.barrier barrier_id(%barrier3A)
    %scan3A = arith.constant 0 : i32
    %scan3A_3 = arith.constant 0 : i32
    %scan3A_4 = arith.constant 80 : i32
    %scan3A_5 = arith.addi %scan3A_3, %scan3A_4 : i32
    %scan3A_6 = arith.constant 1 : i32
    scf.for %scan3A_9 = %scan3A_3 to %scan3A_5 step %scan3A_6  : i32 {
      "tpu.region"() ({
        %run_scoped3A = tpu.sem_alloc : memref<!tpu.dma_semaphore, #tpu.memory_space<semaphore_mem>>
        %dma_start3A = arith.constant 0 : i32
        %dma_start3A_10 = tpu.memref_slice %arg6[%scan3A_9, %dma_start3A] : memref<80x128xi32, #tpu.memory_space<vmem>> -> memref<1x128xi32, #tpu.memory_space<vmem>>
        %dma_start3A_11 = tpu.memref_squeeze %dma_start3A_10 : memref<1x128xi32, #tpu.memory_space<vmem>> -> memref<128xi32, #tpu.memory_space<vmem>>
        %dma_start3A_12 = arith.constant 0 : i32
        %dma_start3A_13 = arith.constant 0 : i32
        %dma_start3A_14 = tpu.memref_slice %arg8[%dma_start3A_12, %dma_start3A_13] : memref<10112x16xf32, #tpu.memory_space<vmem_shared>> -> memref<10112x16xf32, #tpu.memory_space<vmem_shared>>
        tpu.enqueue_indirect_dma source(%arg7 : memref<128x16xf32, #tpu.memory_space<vmem>>) target(%dma_start3A_14 : memref<10112x16xf32, #tpu.memory_space<vmem_shared>>) offsets(%dma_start3A_11 : memref<128xi32, #tpu.memory_space<vmem>>) semaphore(%run_scoped3A : memref<!tpu.dma_semaphore, #tpu.memory_space<semaphore_mem>>) {add = true}
        %dma_wait3A = arith.constant 0 : i32
        %dma_wait3A_15 = tpu.memref_slice %arg6[%scan3A_9, %dma_wait3A] : memref<80x128xi32, #tpu.memory_space<vmem>> -> memref<1x128xi32, #tpu.memory_space<vmem>>
        %dma_wait3A_16 = tpu.memref_squeeze %dma_wait3A_15 : memref<1x128xi32, #tpu.memory_space<vmem>> -> memref<128xi32, #tpu.memory_space<vmem>>
        %dma_wait3A_17 = arith.constant 0 : i32
        %dma_wait3A_18 = arith.constant 0 : i32
        %dma_wait3A_19 = tpu.memref_slice %arg8[%dma_wait3A_17, %dma_wait3A_18] : memref<10112x16xf32, #tpu.memory_space<vmem_shared>> -> memref<10112x16xf32, #tpu.memory_space<vmem_shared>>
        tpu.wait_indirect_dma semaphore(%run_scoped3A : memref<!tpu.dma_semaphore, #tpu.memory_space<semaphore_mem>>) src(%arg7 : memref<128x16xf32, #tpu.memory_space<vmem>>) dst(%dma_wait3A_19 : memref<10112x16xf32, #tpu.memory_space<vmem_shared>>)
        tpu.yield
      }) : () -> ()
    }
    %scan3A_7 = arith.constant 80 : i32
    %barrier3A_8 = arith.constant 0 : index
    tpu.barrier barrier_id(%barrier3A_8)
    "tpu.region"() ({
      %run_scoped3A = tpu.sem_alloc : memref<!tpu.dma_semaphore, #tpu.memory_space<semaphore_mem>>
      %dma_start3A = arith.constant 0 : i32
      %dma_start3A_9 = tpu.memref_slice %arg5[%arg0, %mul3A_2, %dma_start3A] : memref<2x10112x16xf32, #tpu.memory_space<hbm>> -> memref<1x632x16xf32, #tpu.memory_space<hbm>>
      %dma_start3A_10 = tpu.memref_squeeze %dma_start3A_9 : memref<1x632x16xf32, #tpu.memory_space<hbm>> -> memref<632x16xf32, #tpu.memory_space<hbm>>
      %dma_start3A_11 = arith.constant 0 : i32
      %dma_start3A_12 = tpu.memref_slice %arg8[%mul3A_2, %dma_start3A_11] : memref<10112x16xf32, #tpu.memory_space<vmem_shared>> -> memref<632x16xf32, #tpu.memory_space<vmem_shared>>
      tpu.enqueue_dma source(%dma_start3A_12 : memref<632x16xf32, #tpu.memory_space<vmem_shared>>) target(%dma_start3A_10 : memref<632x16xf32, #tpu.memory_space<hbm>>) target_semaphore(%run_scoped3A : memref<!tpu.dma_semaphore, #tpu.memory_space<semaphore_mem>>)
      %dma_wait3A = arith.constant 0 : i32
      %dma_wait3A_13 = tpu.memref_slice %arg5[%arg0, %mul3A_2, %dma_wait3A] : memref<2x10112x16xf32, #tpu.memory_space<hbm>> -> memref<1x632x16xf32, #tpu.memory_space<hbm>>
      %dma_wait3A_14 = tpu.memref_squeeze %dma_wait3A_13 : memref<1x632x16xf32, #tpu.memory_space<hbm>> -> memref<632x16xf32, #tpu.memory_space<hbm>>
      %dma_wait3A_15 = arith.constant 0 : i32
      %dma_wait3A_16 = tpu.memref_slice %arg8[%mul3A_2, %dma_wait3A_15] : memref<10112x16xf32, #tpu.memory_space<vmem_shared>> -> memref<632x16xf32, #tpu.memory_space<vmem_shared>>
      tpu.wait_dma2 semaphore(%run_scoped3A : memref<!tpu.dma_semaphore, #tpu.memory_space<semaphore_mem>>) src(%dma_wait3A_16 : memref<632x16xf32, #tpu.memory_space<vmem_shared>>) dst(%dma_wait3A_14 : memref<632x16xf32, #tpu.memory_space<hbm>>)
      tpu.yield
    }) : () -> ()
    return
  }
}

#map = affine_map<(d0, d1) -> (0, 0)>
#map1 = affine_map<(d0, d1) -> (0, 0, 0)>
module attributes {stable_mosaic.version = 14 : i64} {
  func.func @agg_kernel(%arg0: i32, %arg1: i32, %arg2: memref<10112x128xf32, #tpu.memory_space<hbm>>, %arg3: memref<32x80x128xi32, #tpu.memory_space<hbm>>, %arg4: memref<32x80x128xi32, #tpu.memory_space<hbm>>, %arg5: memref<2x10112x128xf32, #tpu.memory_space<hbm>>, %arg6: memref<128xi32, #tpu.memory_space<vmem>>, %arg7: memref<128xi32, #tpu.memory_space<vmem>>, %arg8: memref<128x128xf32, #tpu.memory_space<vmem>>, %arg9: memref<10112x128xf32, #tpu.memory_space<vmem_shared>>, %arg10: memref<!tpu.dma_semaphore, #tpu.memory_space<semaphore_mem>>) attributes {dimension_semantics = [#tpu.dimension_semantics<core_parallel>, #tpu.dimension_semantics<subcore_parallel>], iteration_bounds = array<i64: 2, 16>, scalar_prefetch = 0 : i64, scratch_operands = 5 : i64, tpu.core_type = #tpu.core_type<sc_vector_subcore>, window_params = [{transform_indices = #map}, {transform_indices = #map1}, {transform_indices = #map1}, {transform_indices = #map1}]} {
    %mul3A = arith.constant 2 : i32
    %mul3A_0 = arith.muli %arg1, %mul3A : i32
    %add3A = arith.addi %mul3A_0, %arg0 : i32
    %mul3A_1 = arith.constant 632 : i32
    %mul3A_2 = arith.muli %arg1, %mul3A_1 : i32
    "tpu.region"() ({
      %run_scoped3A = tpu.sem_alloc : memref<!tpu.dma_semaphore, #tpu.memory_space<semaphore_mem>>
      %dma_start3A = arith.constant 0 : i32
      %dma_start3A_9 = tpu.memref_slice %arg9[%mul3A_2, %dma_start3A] : memref<10112x128xf32, #tpu.memory_space<vmem_shared>> -> memref<632x128xf32, #tpu.memory_space<vmem_shared>>
      %dma_start3A_10 = arith.constant 0 : i32
      %dma_start3A_11 = tpu.memref_slice %arg2[%mul3A_2, %dma_start3A_10] : memref<10112x128xf32, #tpu.memory_space<hbm>> -> memref<632x128xf32, #tpu.memory_space<hbm>>
      tpu.enqueue_dma source(%dma_start3A_11 : memref<632x128xf32, #tpu.memory_space<hbm>>) target(%dma_start3A_9 : memref<632x128xf32, #tpu.memory_space<vmem_shared>>) target_semaphore(%run_scoped3A : memref<!tpu.dma_semaphore, #tpu.memory_space<semaphore_mem>>)
      %dma_wait3A = arith.constant 0 : i32
      %dma_wait3A_12 = tpu.memref_slice %arg9[%mul3A_2, %dma_wait3A] : memref<10112x128xf32, #tpu.memory_space<vmem_shared>> -> memref<632x128xf32, #tpu.memory_space<vmem_shared>>
      %dma_wait3A_13 = arith.constant 0 : i32
      %dma_wait3A_14 = tpu.memref_slice %arg2[%mul3A_2, %dma_wait3A_13] : memref<10112x128xf32, #tpu.memory_space<hbm>> -> memref<632x128xf32, #tpu.memory_space<hbm>>
      tpu.wait_dma2 semaphore(%run_scoped3A : memref<!tpu.dma_semaphore, #tpu.memory_space<semaphore_mem>>) src(%dma_wait3A_14 : memref<632x128xf32, #tpu.memory_space<hbm>>) dst(%dma_wait3A_12 : memref<632x128xf32, #tpu.memory_space<vmem_shared>>)
      tpu.yield
    }) : () -> ()
    %barrier3A = arith.constant 0 : index
    tpu.barrier barrier_id(%barrier3A)
    %scan3A = arith.constant 0 : i32
    %scan3A_3 = arith.constant 0 : i32
    %scan3A_4 = arith.constant 80 : i32
    %scan3A_5 = arith.addi %scan3A_3, %scan3A_4 : i32
    %scan3A_6 = arith.constant 1 : i32
    scf.for %scan3A_9 = %scan3A_3 to %scan3A_5 step %scan3A_6  : i32 {
      "tpu.region"() ({
        %run_scoped3A = tpu.sem_alloc : memref<!tpu.dma_semaphore, #tpu.memory_space<semaphore_mem>>
        %dma_start3A_14 = arith.constant 0 : i32
        %dma_start3A_15 = tpu.memref_slice %arg3[%add3A, %scan3A_9, %dma_start3A_14] : memref<32x80x128xi32, #tpu.memory_space<hbm>> -> memref<1x1x128xi32, #tpu.memory_space<hbm>>
        %dma_start3A_16 = tpu.memref_squeeze %dma_start3A_15 : memref<1x1x128xi32, #tpu.memory_space<hbm>> -> memref<128xi32, #tpu.memory_space<hbm>>
        %dma_start3A_17 = arith.constant 0 : i32
        %dma_start3A_18 = tpu.memref_slice %arg3[%add3A, %scan3A_9, %dma_start3A_17] : memref<32x80x128xi32, #tpu.memory_space<hbm>> -> memref<1x1x128xi32, #tpu.memory_space<hbm>>
        %dma_start3A_19 = tpu.memref_squeeze %dma_start3A_18 : memref<1x1x128xi32, #tpu.memory_space<hbm>> -> memref<128xi32, #tpu.memory_space<hbm>>
        tpu.enqueue_dma source(%dma_start3A_19 : memref<128xi32, #tpu.memory_space<hbm>>) target(%arg6 : memref<128xi32, #tpu.memory_space<vmem>>) target_semaphore(%run_scoped3A : memref<!tpu.dma_semaphore, #tpu.memory_space<semaphore_mem>>)
        %dma_wait3A_20 = arith.constant 0 : i32
        %dma_wait3A_21 = tpu.memref_slice %arg3[%add3A, %scan3A_9, %dma_wait3A_20] : memref<32x80x128xi32, #tpu.memory_space<hbm>> -> memref<1x1x128xi32, #tpu.memory_space<hbm>>
        %dma_wait3A_22 = tpu.memref_squeeze %dma_wait3A_21 : memref<1x1x128xi32, #tpu.memory_space<hbm>> -> memref<128xi32, #tpu.memory_space<hbm>>
        %dma_wait3A_23 = arith.constant 0 : i32
        %dma_wait3A_24 = tpu.memref_slice %arg3[%add3A, %scan3A_9, %dma_wait3A_23] : memref<32x80x128xi32, #tpu.memory_space<hbm>> -> memref<1x1x128xi32, #tpu.memory_space<hbm>>
        %dma_wait3A_25 = tpu.memref_squeeze %dma_wait3A_24 : memref<1x1x128xi32, #tpu.memory_space<hbm>> -> memref<128xi32, #tpu.memory_space<hbm>>
        tpu.wait_dma2 semaphore(%run_scoped3A : memref<!tpu.dma_semaphore, #tpu.memory_space<semaphore_mem>>) src(%dma_wait3A_25 : memref<128xi32, #tpu.memory_space<hbm>>) dst(%arg6 : memref<128xi32, #tpu.memory_space<vmem>>)
        tpu.yield
      }) : () -> ()
      "tpu.region"() ({
        %run_scoped3A = tpu.sem_alloc : memref<!tpu.dma_semaphore, #tpu.memory_space<semaphore_mem>>
        %dma_start3A_14 = arith.constant 0 : i32
        %dma_start3A_15 = tpu.memref_slice %arg4[%add3A, %scan3A_9, %dma_start3A_14] : memref<32x80x128xi32, #tpu.memory_space<hbm>> -> memref<1x1x128xi32, #tpu.memory_space<hbm>>
        %dma_start3A_16 = tpu.memref_squeeze %dma_start3A_15 : memref<1x1x128xi32, #tpu.memory_space<hbm>> -> memref<128xi32, #tpu.memory_space<hbm>>
        %dma_start3A_17 = arith.constant 0 : i32
        %dma_start3A_18 = tpu.memref_slice %arg4[%add3A, %scan3A_9, %dma_start3A_17] : memref<32x80x128xi32, #tpu.memory_space<hbm>> -> memref<1x1x128xi32, #tpu.memory_space<hbm>>
        %dma_start3A_19 = tpu.memref_squeeze %dma_start3A_18 : memref<1x1x128xi32, #tpu.memory_space<hbm>> -> memref<128xi32, #tpu.memory_space<hbm>>
        tpu.enqueue_dma source(%dma_start3A_19 : memref<128xi32, #tpu.memory_space<hbm>>) target(%arg7 : memref<128xi32, #tpu.memory_space<vmem>>) target_semaphore(%run_scoped3A : memref<!tpu.dma_semaphore, #tpu.memory_space<semaphore_mem>>)
        %dma_wait3A_20 = arith.constant 0 : i32
        %dma_wait3A_21 = tpu.memref_slice %arg4[%add3A, %scan3A_9, %dma_wait3A_20] : memref<32x80x128xi32, #tpu.memory_space<hbm>> -> memref<1x1x128xi32, #tpu.memory_space<hbm>>
        %dma_wait3A_22 = tpu.memref_squeeze %dma_wait3A_21 : memref<1x1x128xi32, #tpu.memory_space<hbm>> -> memref<128xi32, #tpu.memory_space<hbm>>
        %dma_wait3A_23 = arith.constant 0 : i32
        %dma_wait3A_24 = tpu.memref_slice %arg4[%add3A, %scan3A_9, %dma_wait3A_23] : memref<32x80x128xi32, #tpu.memory_space<hbm>> -> memref<1x1x128xi32, #tpu.memory_space<hbm>>
        %dma_wait3A_25 = tpu.memref_squeeze %dma_wait3A_24 : memref<1x1x128xi32, #tpu.memory_space<hbm>> -> memref<128xi32, #tpu.memory_space<hbm>>
        tpu.wait_dma2 semaphore(%run_scoped3A : memref<!tpu.dma_semaphore, #tpu.memory_space<semaphore_mem>>) src(%dma_wait3A_25 : memref<128xi32, #tpu.memory_space<hbm>>) dst(%arg7 : memref<128xi32, #tpu.memory_space<vmem>>)
        tpu.yield
      }) : () -> ()
      %dma_start3A = arith.constant 0 : i32
      %dma_start3A_10 = arith.constant 0 : i32
      %dma_start3A_11 = tpu.memref_slice %arg2[%dma_start3A, %dma_start3A_10] : memref<10112x128xf32, #tpu.memory_space<hbm>> -> memref<10112x128xf32, #tpu.memory_space<hbm>>
      tpu.enqueue_indirect_dma source(%dma_start3A_11 : memref<10112x128xf32, #tpu.memory_space<hbm>>) target(%arg8 : memref<128x128xf32, #tpu.memory_space<vmem>>) offsets(%arg6 : memref<128xi32, #tpu.memory_space<vmem>>) semaphore(%arg10 : memref<!tpu.dma_semaphore, #tpu.memory_space<semaphore_mem>>)
      %dma_wait3A = arith.constant 0 : i32
      %dma_wait3A_12 = arith.constant 0 : i32
      %dma_wait3A_13 = tpu.memref_slice %arg2[%dma_wait3A, %dma_wait3A_12] : memref<10112x128xf32, #tpu.memory_space<hbm>> -> memref<10112x128xf32, #tpu.memory_space<hbm>>
      tpu.wait_indirect_dma semaphore(%arg10 : memref<!tpu.dma_semaphore, #tpu.memory_space<semaphore_mem>>) src(%dma_wait3A_13 : memref<10112x128xf32, #tpu.memory_space<hbm>>) dst(%arg8 : memref<128x128xf32, #tpu.memory_space<vmem>>)
      "tpu.region"() ({
        %run_scoped3A = tpu.sem_alloc : memref<!tpu.dma_semaphore, #tpu.memory_space<semaphore_mem>>
        %dma_start3A_14 = arith.constant 0 : i32
        %dma_start3A_15 = arith.constant 0 : i32
        %dma_start3A_16 = tpu.memref_slice %arg9[%dma_start3A_14, %dma_start3A_15] : memref<10112x128xf32, #tpu.memory_space<vmem_shared>> -> memref<10112x128xf32, #tpu.memory_space<vmem_shared>>
        tpu.enqueue_indirect_dma source(%arg8 : memref<128x128xf32, #tpu.memory_space<vmem>>) target(%dma_start3A_16 : memref<10112x128xf32, #tpu.memory_space<vmem_shared>>) offsets(%arg7 : memref<128xi32, #tpu.memory_space<vmem>>) semaphore(%run_scoped3A : memref<!tpu.dma_semaphore, #tpu.memory_space<semaphore_mem>>) {add = true}
        %dma_wait3A_17 = arith.constant 0 : i32
        %dma_wait3A_18 = arith.constant 0 : i32
        %dma_wait3A_19 = tpu.memref_slice %arg9[%dma_wait3A_17, %dma_wait3A_18] : memref<10112x128xf32, #tpu.memory_space<vmem_shared>> -> memref<10112x128xf32, #tpu.memory_space<vmem_shared>>
        tpu.wait_indirect_dma semaphore(%run_scoped3A : memref<!tpu.dma_semaphore, #tpu.memory_space<semaphore_mem>>) src(%arg8 : memref<128x128xf32, #tpu.memory_space<vmem>>) dst(%dma_wait3A_19 : memref<10112x128xf32, #tpu.memory_space<vmem_shared>>)
        tpu.yield
      }) : () -> ()
    }
    %scan3A_7 = arith.constant 80 : i32
    %barrier3A_8 = arith.constant 0 : index
    tpu.barrier barrier_id(%barrier3A_8)
    "tpu.region"() ({
      %run_scoped3A = tpu.sem_alloc : memref<!tpu.dma_semaphore, #tpu.memory_space<semaphore_mem>>
      %dma_start3A = arith.constant 0 : i32
      %dma_start3A_9 = tpu.memref_slice %arg5[%arg0, %mul3A_2, %dma_start3A] : memref<2x10112x128xf32, #tpu.memory_space<hbm>> -> memref<1x632x128xf32, #tpu.memory_space<hbm>>
      %dma_start3A_10 = tpu.memref_squeeze %dma_start3A_9 : memref<1x632x128xf32, #tpu.memory_space<hbm>> -> memref<632x128xf32, #tpu.memory_space<hbm>>
      %dma_start3A_11 = arith.constant 0 : i32
      %dma_start3A_12 = tpu.memref_slice %arg9[%mul3A_2, %dma_start3A_11] : memref<10112x128xf32, #tpu.memory_space<vmem_shared>> -> memref<632x128xf32, #tpu.memory_space<vmem_shared>>
      tpu.enqueue_dma source(%dma_start3A_12 : memref<632x128xf32, #tpu.memory_space<vmem_shared>>) target(%dma_start3A_10 : memref<632x128xf32, #tpu.memory_space<hbm>>) target_semaphore(%run_scoped3A : memref<!tpu.dma_semaphore, #tpu.memory_space<semaphore_mem>>)
      %dma_wait3A = arith.constant 0 : i32
      %dma_wait3A_13 = tpu.memref_slice %arg5[%arg0, %mul3A_2, %dma_wait3A] : memref<2x10112x128xf32, #tpu.memory_space<hbm>> -> memref<1x632x128xf32, #tpu.memory_space<hbm>>
      %dma_wait3A_14 = tpu.memref_squeeze %dma_wait3A_13 : memref<1x632x128xf32, #tpu.memory_space<hbm>> -> memref<632x128xf32, #tpu.memory_space<hbm>>
      %dma_wait3A_15 = arith.constant 0 : i32
      %dma_wait3A_16 = tpu.memref_slice %arg9[%mul3A_2, %dma_wait3A_15] : memref<10112x128xf32, #tpu.memory_space<vmem_shared>> -> memref<632x128xf32, #tpu.memory_space<vmem_shared>>
      tpu.wait_dma2 semaphore(%run_scoped3A : memref<!tpu.dma_semaphore, #tpu.memory_space<semaphore_mem>>) src(%dma_wait3A_16 : memref<632x128xf32, #tpu.memory_space<vmem_shared>>) dst(%dma_wait3A_14 : memref<632x128xf32, #tpu.memory_space<hbm>>)
      tpu.yield
    }) : () -> ()
    return
  }
}

#map = affine_map<(d0, d1) -> (0, 0)>
#map1 = affine_map<(d0, d1) -> (0, 0, 0)>
module attributes {stable_mosaic.version = 14 : i64} {
  func.func @agg_kernel(%arg0: i32, %arg1: i32, %arg2: memref<10112x128xf32, #tpu.memory_space<hbm>>, %arg3: memref<32x80x128xi32, #tpu.memory_space<hbm>>, %arg4: memref<32x80x128xi32, #tpu.memory_space<hbm>>, %arg5: memref<2x10112x128xf32, #tpu.memory_space<hbm>>, %arg6: memref<128xi32, #tpu.memory_space<vmem>>, %arg7: memref<128xi32, #tpu.memory_space<vmem>>, %arg8: memref<128x128xf32, #tpu.memory_space<vmem>>, %arg9: memref<10112x128xf32, #tpu.memory_space<vmem_shared>>, %arg10: memref<!tpu.dma_semaphore, #tpu.memory_space<semaphore_mem>>) attributes {dimension_semantics = [#tpu.dimension_semantics<core_parallel>, #tpu.dimension_semantics<subcore_parallel>], iteration_bounds = array<i64: 2, 16>, scalar_prefetch = 0 : i64, scratch_operands = 5 : i64, tpu.core_type = #tpu.core_type<sc_vector_subcore>, window_params = [{transform_indices = #map}, {transform_indices = #map1}, {transform_indices = #map1}, {transform_indices = #map1}]} {
    %mul3A = arith.constant 2 : i32
    %mul3A_0 = arith.muli %arg1, %mul3A : i32
    %add3A = arith.addi %mul3A_0, %arg0 : i32
    %mul3A_1 = arith.constant 632 : i32
    %mul3A_2 = arith.muli %arg1, %mul3A_1 : i32
    "tpu.region"() ({
      %run_scoped3A = tpu.sem_alloc : memref<!tpu.dma_semaphore, #tpu.memory_space<semaphore_mem>>
      %dma_start3A = arith.constant 0 : i32
      %dma_start3A_9 = tpu.memref_slice %arg9[%mul3A_2, %dma_start3A] : memref<10112x128xf32, #tpu.memory_space<vmem_shared>> -> memref<632x128xf32, #tpu.memory_space<vmem_shared>>
      %dma_start3A_10 = arith.constant 0 : i32
      %dma_start3A_11 = tpu.memref_slice %arg2[%mul3A_2, %dma_start3A_10] : memref<10112x128xf32, #tpu.memory_space<hbm>> -> memref<632x128xf32, #tpu.memory_space<hbm>>
      tpu.enqueue_dma source(%dma_start3A_11 : memref<632x128xf32, #tpu.memory_space<hbm>>) target(%dma_start3A_9 : memref<632x128xf32, #tpu.memory_space<vmem_shared>>) target_semaphore(%run_scoped3A : memref<!tpu.dma_semaphore, #tpu.memory_space<semaphore_mem>>)
      %dma_wait3A = arith.constant 0 : i32
      %dma_wait3A_12 = tpu.memref_slice %arg9[%mul3A_2, %dma_wait3A] : memref<10112x128xf32, #tpu.memory_space<vmem_shared>> -> memref<632x128xf32, #tpu.memory_space<vmem_shared>>
      %dma_wait3A_13 = arith.constant 0 : i32
      %dma_wait3A_14 = tpu.memref_slice %arg2[%mul3A_2, %dma_wait3A_13] : memref<10112x128xf32, #tpu.memory_space<hbm>> -> memref<632x128xf32, #tpu.memory_space<hbm>>
      tpu.wait_dma2 semaphore(%run_scoped3A : memref<!tpu.dma_semaphore, #tpu.memory_space<semaphore_mem>>) src(%dma_wait3A_14 : memref<632x128xf32, #tpu.memory_space<hbm>>) dst(%dma_wait3A_12 : memref<632x128xf32, #tpu.memory_space<vmem_shared>>)
      tpu.yield
    }) : () -> ()
    %barrier3A = arith.constant 0 : index
    tpu.barrier barrier_id(%barrier3A)
    %scan3A = arith.constant 0 : i32
    %scan3A_3 = arith.constant 0 : i32
    %scan3A_4 = arith.constant 80 : i32
    %scan3A_5 = arith.addi %scan3A_3, %scan3A_4 : i32
    %scan3A_6 = arith.constant 1 : i32
    scf.for %scan3A_9 = %scan3A_3 to %scan3A_5 step %scan3A_6  : i32 {
      "tpu.region"() ({
        %run_scoped3A = tpu.sem_alloc : memref<!tpu.dma_semaphore, #tpu.memory_space<semaphore_mem>>
        %dma_start3A_14 = arith.constant 0 : i32
        %dma_start3A_15 = tpu.memref_slice %arg3[%add3A, %scan3A_9, %dma_start3A_14] : memref<32x80x128xi32, #tpu.memory_space<hbm>> -> memref<1x1x128xi32, #tpu.memory_space<hbm>>
        %dma_start3A_16 = tpu.memref_squeeze %dma_start3A_15 : memref<1x1x128xi32, #tpu.memory_space<hbm>> -> memref<128xi32, #tpu.memory_space<hbm>>
        %dma_start3A_17 = arith.constant 0 : i32
        %dma_start3A_18 = tpu.memref_slice %arg3[%add3A, %scan3A_9, %dma_start3A_17] : memref<32x80x128xi32, #tpu.memory_space<hbm>> -> memref<1x1x128xi32, #tpu.memory_space<hbm>>
        %dma_start3A_19 = tpu.memref_squeeze %dma_start3A_18 : memref<1x1x128xi32, #tpu.memory_space<hbm>> -> memref<128xi32, #tpu.memory_space<hbm>>
        tpu.enqueue_dma source(%dma_start3A_19 : memref<128xi32, #tpu.memory_space<hbm>>) target(%arg6 : memref<128xi32, #tpu.memory_space<vmem>>) target_semaphore(%run_scoped3A : memref<!tpu.dma_semaphore, #tpu.memory_space<semaphore_mem>>)
        %dma_wait3A_20 = arith.constant 0 : i32
        %dma_wait3A_21 = tpu.memref_slice %arg3[%add3A, %scan3A_9, %dma_wait3A_20] : memref<32x80x128xi32, #tpu.memory_space<hbm>> -> memref<1x1x128xi32, #tpu.memory_space<hbm>>
        %dma_wait3A_22 = tpu.memref_squeeze %dma_wait3A_21 : memref<1x1x128xi32, #tpu.memory_space<hbm>> -> memref<128xi32, #tpu.memory_space<hbm>>
        %dma_wait3A_23 = arith.constant 0 : i32
        %dma_wait3A_24 = tpu.memref_slice %arg3[%add3A, %scan3A_9, %dma_wait3A_23] : memref<32x80x128xi32, #tpu.memory_space<hbm>> -> memref<1x1x128xi32, #tpu.memory_space<hbm>>
        %dma_wait3A_25 = tpu.memref_squeeze %dma_wait3A_24 : memref<1x1x128xi32, #tpu.memory_space<hbm>> -> memref<128xi32, #tpu.memory_space<hbm>>
        tpu.wait_dma2 semaphore(%run_scoped3A : memref<!tpu.dma_semaphore, #tpu.memory_space<semaphore_mem>>) src(%dma_wait3A_25 : memref<128xi32, #tpu.memory_space<hbm>>) dst(%arg6 : memref<128xi32, #tpu.memory_space<vmem>>)
        tpu.yield
      }) : () -> ()
      "tpu.region"() ({
        %run_scoped3A = tpu.sem_alloc : memref<!tpu.dma_semaphore, #tpu.memory_space<semaphore_mem>>
        %dma_start3A_14 = arith.constant 0 : i32
        %dma_start3A_15 = tpu.memref_slice %arg4[%add3A, %scan3A_9, %dma_start3A_14] : memref<32x80x128xi32, #tpu.memory_space<hbm>> -> memref<1x1x128xi32, #tpu.memory_space<hbm>>
        %dma_start3A_16 = tpu.memref_squeeze %dma_start3A_15 : memref<1x1x128xi32, #tpu.memory_space<hbm>> -> memref<128xi32, #tpu.memory_space<hbm>>
        %dma_start3A_17 = arith.constant 0 : i32
        %dma_start3A_18 = tpu.memref_slice %arg4[%add3A, %scan3A_9, %dma_start3A_17] : memref<32x80x128xi32, #tpu.memory_space<hbm>> -> memref<1x1x128xi32, #tpu.memory_space<hbm>>
        %dma_start3A_19 = tpu.memref_squeeze %dma_start3A_18 : memref<1x1x128xi32, #tpu.memory_space<hbm>> -> memref<128xi32, #tpu.memory_space<hbm>>
        tpu.enqueue_dma source(%dma_start3A_19 : memref<128xi32, #tpu.memory_space<hbm>>) target(%arg7 : memref<128xi32, #tpu.memory_space<vmem>>) target_semaphore(%run_scoped3A : memref<!tpu.dma_semaphore, #tpu.memory_space<semaphore_mem>>)
        %dma_wait3A_20 = arith.constant 0 : i32
        %dma_wait3A_21 = tpu.memref_slice %arg4[%add3A, %scan3A_9, %dma_wait3A_20] : memref<32x80x128xi32, #tpu.memory_space<hbm>> -> memref<1x1x128xi32, #tpu.memory_space<hbm>>
        %dma_wait3A_22 = tpu.memref_squeeze %dma_wait3A_21 : memref<1x1x128xi32, #tpu.memory_space<hbm>> -> memref<128xi32, #tpu.memory_space<hbm>>
        %dma_wait3A_23 = arith.constant 0 : i32
        %dma_wait3A_24 = tpu.memref_slice %arg4[%add3A, %scan3A_9, %dma_wait3A_23] : memref<32x80x128xi32, #tpu.memory_space<hbm>> -> memref<1x1x128xi32, #tpu.memory_space<hbm>>
        %dma_wait3A_25 = tpu.memref_squeeze %dma_wait3A_24 : memref<1x1x128xi32, #tpu.memory_space<hbm>> -> memref<128xi32, #tpu.memory_space<hbm>>
        tpu.wait_dma2 semaphore(%run_scoped3A : memref<!tpu.dma_semaphore, #tpu.memory_space<semaphore_mem>>) src(%dma_wait3A_25 : memref<128xi32, #tpu.memory_space<hbm>>) dst(%arg7 : memref<128xi32, #tpu.memory_space<vmem>>)
        tpu.yield
      }) : () -> ()
      %dma_start3A = arith.constant 0 : i32
      %dma_start3A_10 = arith.constant 0 : i32
      %dma_start3A_11 = tpu.memref_slice %arg2[%dma_start3A, %dma_start3A_10] : memref<10112x128xf32, #tpu.memory_space<hbm>> -> memref<10112x128xf32, #tpu.memory_space<hbm>>
      tpu.enqueue_indirect_dma source(%dma_start3A_11 : memref<10112x128xf32, #tpu.memory_space<hbm>>) target(%arg8 : memref<128x128xf32, #tpu.memory_space<vmem>>) offsets(%arg6 : memref<128xi32, #tpu.memory_space<vmem>>) semaphore(%arg10 : memref<!tpu.dma_semaphore, #tpu.memory_space<semaphore_mem>>)
      %dma_wait3A = arith.constant 0 : i32
      %dma_wait3A_12 = arith.constant 0 : i32
      %dma_wait3A_13 = tpu.memref_slice %arg2[%dma_wait3A, %dma_wait3A_12] : memref<10112x128xf32, #tpu.memory_space<hbm>> -> memref<10112x128xf32, #tpu.memory_space<hbm>>
      tpu.wait_indirect_dma semaphore(%arg10 : memref<!tpu.dma_semaphore, #tpu.memory_space<semaphore_mem>>) src(%dma_wait3A_13 : memref<10112x128xf32, #tpu.memory_space<hbm>>) dst(%arg8 : memref<128x128xf32, #tpu.memory_space<vmem>>)
      "tpu.region"() ({
        %run_scoped3A = tpu.sem_alloc : memref<!tpu.dma_semaphore, #tpu.memory_space<semaphore_mem>>
        %dma_start3A_14 = arith.constant 0 : i32
        %dma_start3A_15 = arith.constant 0 : i32
        %dma_start3A_16 = tpu.memref_slice %arg9[%dma_start3A_14, %dma_start3A_15] : memref<10112x128xf32, #tpu.memory_space<vmem_shared>> -> memref<10112x128xf32, #tpu.memory_space<vmem_shared>>
        tpu.enqueue_indirect_dma source(%arg8 : memref<128x128xf32, #tpu.memory_space<vmem>>) target(%dma_start3A_16 : memref<10112x128xf32, #tpu.memory_space<vmem_shared>>) offsets(%arg7 : memref<128xi32, #tpu.memory_space<vmem>>) semaphore(%run_scoped3A : memref<!tpu.dma_semaphore, #tpu.memory_space<semaphore_mem>>) {add = true}
        %dma_wait3A_17 = arith.constant 0 : i32
        %dma_wait3A_18 = arith.constant 0 : i32
        %dma_wait3A_19 = tpu.memref_slice %arg9[%dma_wait3A_17, %dma_wait3A_18] : memref<10112x128xf32, #tpu.memory_space<vmem_shared>> -> memref<10112x128xf32, #tpu.memory_space<vmem_shared>>
        tpu.wait_indirect_dma semaphore(%run_scoped3A : memref<!tpu.dma_semaphore, #tpu.memory_space<semaphore_mem>>) src(%arg8 : memref<128x128xf32, #tpu.memory_space<vmem>>) dst(%dma_wait3A_19 : memref<10112x128xf32, #tpu.memory_space<vmem_shared>>)
        tpu.yield
      }) : () -> ()
    }
    %scan3A_7 = arith.constant 80 : i32
    %barrier3A_8 = arith.constant 0 : index
    tpu.barrier barrier_id(%barrier3A_8)
    "tpu.region"() ({
      %run_scoped3A = tpu.sem_alloc : memref<!tpu.dma_semaphore, #tpu.memory_space<semaphore_mem>>
      %dma_start3A = arith.constant 0 : i32
      %dma_start3A_9 = tpu.memref_slice %arg5[%arg0, %mul3A_2, %dma_start3A] : memref<2x10112x128xf32, #tpu.memory_space<hbm>> -> memref<1x632x128xf32, #tpu.memory_space<hbm>>
      %dma_start3A_10 = tpu.memref_squeeze %dma_start3A_9 : memref<1x632x128xf32, #tpu.memory_space<hbm>> -> memref<632x128xf32, #tpu.memory_space<hbm>>
      %dma_start3A_11 = arith.constant 0 : i32
      %dma_start3A_12 = tpu.memref_slice %arg9[%mul3A_2, %dma_start3A_11] : memref<10112x128xf32, #tpu.memory_space<vmem_shared>> -> memref<632x128xf32, #tpu.memory_space<vmem_shared>>
      tpu.enqueue_dma source(%dma_start3A_12 : memref<632x128xf32, #tpu.memory_space<vmem_shared>>) target(%dma_start3A_10 : memref<632x128xf32, #tpu.memory_space<hbm>>) target_semaphore(%run_scoped3A : memref<!tpu.dma_semaphore, #tpu.memory_space<semaphore_mem>>)
      %dma_wait3A = arith.constant 0 : i32
      %dma_wait3A_13 = tpu.memref_slice %arg5[%arg0, %mul3A_2, %dma_wait3A] : memref<2x10112x128xf32, #tpu.memory_space<hbm>> -> memref<1x632x128xf32, #tpu.memory_space<hbm>>
      %dma_wait3A_14 = tpu.memref_squeeze %dma_wait3A_13 : memref<1x632x128xf32, #tpu.memory_space<hbm>> -> memref<632x128xf32, #tpu.memory_space<hbm>>
      %dma_wait3A_15 = arith.constant 0 : i32
      %dma_wait3A_16 = tpu.memref_slice %arg9[%mul3A_2, %dma_wait3A_15] : memref<10112x128xf32, #tpu.memory_space<vmem_shared>> -> memref<632x128xf32, #tpu.memory_space<vmem_shared>>
      tpu.wait_dma2 semaphore(%run_scoped3A : memref<!tpu.dma_semaphore, #tpu.memory_space<semaphore_mem>>) src(%dma_wait3A_16 : memref<632x128xf32, #tpu.memory_space<vmem_shared>>) dst(%dma_wait3A_14 : memref<632x128xf32, #tpu.memory_space<hbm>>)
      tpu.yield
    }) : () -> ()
    return
  }
}

module attributes {stable_mosaic.version = 14 : i64} {
  func.func @body(%arg0: i32, %arg1: memref<2x1000x16xf32, #tpu.memory_space<vmem>>, %arg2: memref<1000x128xf32, #tpu.memory_space<vmem>>, %arg3: memref<128x128xf32, #tpu.memory_space<vmem>>, %arg4: memref<1000x128xf32, #tpu.memory_space<vmem>>) attributes {dimension_semantics = [#tpu.dimension_semantics<arbitrary>], iteration_bounds = array<i64: 10>, scalar_prefetch = 0 : i64, scratch_operands = 0 : i64, tpu.core_type = #tpu.core_type<tc>, window_params = [{transform_indices = @transform_0, window_bounds = array<i64: 2, 1000, 16>}, {transform_indices = @transform_1, window_bounds = array<i64: 1000, 128>}, {pipeline_mode = #tpu.pipeline_mode<synchronous>, transform_indices = @transform_2, window_bounds = array<i64: 128, 128>}, {transform_indices = @transform_3, window_bounds = array<i64: 1000, 128>}]} {
    %get3A = arith.constant 0 : index
    %get3A_0 = arith.constant 0 : index
    %get3A_1 = arith.constant 0 : index
    %get3A_2 = vector.load %arg1[%get3A, %get3A_0, %get3A_1] : memref<2x1000x16xf32, #tpu.memory_space<vmem>>, vector<1x1000x1xf32>
    %get3A_3 = vector.shape_cast %get3A_2 : vector<1x1000x1xf32> to vector<1000xf32>
    %get3A_4 = arith.constant 1 : index
    %get3A_5 = arith.constant 0 : index
    %get3A_6 = arith.constant 0 : index
    %get3A_7 = vector.load %arg1[%get3A_4, %get3A_5, %get3A_6] : memref<2x1000x16xf32, #tpu.memory_space<vmem>>, vector<1x1000x1xf32>
    %get3A_8 = vector.shape_cast %get3A_7 : vector<1x1000x1xf32> to vector<1000xf32>
    %add3A = arith.addf %get3A_3, %get3A_8 : vector<1000xf32>
    %add3A_9 = arith.constant 1.000000e+00 : f32
    %add3A_10 = vector.broadcast %add3A_9 : f32 to vector<1000xf32>
    %add3A_11 = arith.addf %add3A, %add3A_10 : vector<1000xf32>
    %sqrt3A = math.sqrt %add3A_11 : vector<1000xf32>
    %div3A = arith.constant 1.000000e+00 : f32
    %div3A_12 = vector.broadcast %div3A : f32 to vector<1000xf32>
    %div3A_13 = arith.divf %div3A_12, %sqrt3A : vector<1000xf32>
    %get3A_14 = arith.constant 0 : index
    %get3A_15 = arith.constant 0 : index
    %get3A_16 = vector.load %arg2[%get3A_14, %get3A_15] : memref<1000x128xf32, #tpu.memory_space<vmem>>, vector<1000x128xf32>
    %get3A_17 = arith.constant 0 : index
    %get3A_18 = arith.constant 0 : index
    %get3A_19 = vector.load %arg3[%get3A_17, %get3A_18] : memref<128x128xf32, #tpu.memory_space<vmem>>, vector<128x128xf32>
    %dot_general3A = arith.constant dense<0.000000e+00> : vector<1000x128xf32>
    %dot_general3A_20 = tpu.matmul %get3A_16, %get3A_19, %dot_general3A {dimension_numbers = #tpu.dot_dimension_numbers<[1], [0], [0], [1], [0, 0, 1, 1], [], []>, transpose_lhs_hint = false} : vector<1000x128xf32>, vector<128x128xf32>, vector<1000x128xf32> -> vector<1000x128xf32>
    %broadcast_in_dim3A = vector.shape_cast %div3A_13 : vector<1000xf32> to vector<1000x1xf32>
    %mul3A = vector.broadcast %broadcast_in_dim3A : vector<1000x1xf32> to vector<1000x128xf32>
    %mul3A_21 = arith.mulf %dot_general3A_20, %mul3A : vector<1000x128xf32>
    %swap3A = arith.constant 0 : index
    %swap3A_22 = arith.constant 0 : index
    %swap3A_23 = vector.load %arg4[%swap3A, %swap3A_22] : memref<1000x128xf32, #tpu.memory_space<vmem>>, vector<1000x128xf32>
    tpu.vector_store %arg4[%swap3A, %swap3A_22], %mul3A_21 {strides = array<i32>} : memref<1000x128xf32, #tpu.memory_space<vmem>>, vector<1000x128xf32>,
    return
  }
  func.func @transform_0(%arg0: i32) -> (i32, i32, i32) {
    %c0_i32 = arith.constant 0 : i32
    %c0_i32_0 = arith.constant 0 : i32
    %c0_i32_1 = arith.constant 0 : i32
    return %c0_i32, %arg0, %c0_i32_0 : i32, i32, i32
  }
  func.func @transform_1(%arg0: i32) -> (i32, i32) {
    %c0_i32 = arith.constant 0 : i32
    %c0_i32_0 = arith.constant 0 : i32
    return %arg0, %c0_i32 : i32, i32
  }
  func.func @transform_2(%arg0: i32) -> (i32, i32) {
    %c0_i32 = arith.constant 0 : i32
    %c0_i32_0 = arith.constant 0 : i32
    %c0_i32_1 = arith.constant 0 : i32
    return %c0_i32, %c0_i32_0 : i32, i32
  }
  func.func @transform_3(%arg0: i32) -> (i32, i32) {
    %c0_i32 = arith.constant 0 : i32
    %c0_i32_0 = arith.constant 0 : i32
    return %arg0, %c0_i32 : i32, i32
  }
}

module attributes {stable_mosaic.version = 14 : i64} {
  func.func @body(%arg0: i32, %arg1: memref<2x1000x128xf32, #tpu.memory_space<vmem>>, %arg2: memref<1000x128xf32, #tpu.memory_space<vmem>>, %arg3: memref<2x1000x16xf32, #tpu.memory_space<vmem>>, %arg4: memref<1x128xf32, #tpu.memory_space<vmem>>, %arg5: memref<1x128xf32, #tpu.memory_space<vmem>>, %arg6: memref<128x128xf32, #tpu.memory_space<vmem>>, %arg7: memref<1000x128xf32, #tpu.memory_space<vmem>>) attributes {dimension_semantics = [#tpu.dimension_semantics<arbitrary>], iteration_bounds = array<i64: 10>, scalar_prefetch = 0 : i64, scratch_operands = 0 : i64, tpu.core_type = #tpu.core_type<tc>, window_params = [{transform_indices = @transform_0, window_bounds = array<i64: 2, 1000, 128>}, {transform_indices = @transform_1, window_bounds = array<i64: 1000, 128>}, {transform_indices = @transform_2, window_bounds = array<i64: 2, 1000, 16>}, {pipeline_mode = #tpu.pipeline_mode<synchronous>, transform_indices = @transform_3, window_bounds = array<i64: 1, 128>}, {pipeline_mode = #tpu.pipeline_mode<synchronous>, transform_indices = @transform_4, window_bounds = array<i64: 1, 128>}, {pipeline_mode = #tpu.pipeline_mode<synchronous>, transform_indices = @transform_5, window_bounds = array<i64: 128, 128>}, {transform_indices = @transform_6, window_bounds = array<i64: 1000, 128>}]} {
    %get3A = arith.constant 0 : index
    %get3A_0 = arith.constant 0 : index
    %get3A_1 = arith.constant 0 : index
    %get3A_2 = vector.load %arg3[%get3A, %get3A_0, %get3A_1] : memref<2x1000x16xf32, #tpu.memory_space<vmem>>, vector<1x1000x1xf32>
    %get3A_3 = vector.shape_cast %get3A_2 : vector<1x1000x1xf32> to vector<1000xf32>
    %get3A_4 = arith.constant 1 : index
    %get3A_5 = arith.constant 0 : index
    %get3A_6 = arith.constant 0 : index
    %get3A_7 = vector.load %arg3[%get3A_4, %get3A_5, %get3A_6] : memref<2x1000x16xf32, #tpu.memory_space<vmem>>, vector<1x1000x1xf32>
    %get3A_8 = vector.shape_cast %get3A_7 : vector<1x1000x1xf32> to vector<1000xf32>
    %add3A = arith.addf %get3A_3, %get3A_8 : vector<1000xf32>
    %add3A_9 = arith.constant 1.000000e+00 : f32
    %add3A_10 = vector.broadcast %add3A_9 : f32 to vector<1000xf32>
    %add3A_11 = arith.addf %add3A, %add3A_10 : vector<1000xf32>
    %sqrt3A = math.sqrt %add3A_11 : vector<1000xf32>
    %div3A = arith.constant 1.000000e+00 : f32
    %div3A_12 = vector.broadcast %div3A : f32 to vector<1000xf32>
    %div3A_13 = arith.divf %div3A_12, %sqrt3A : vector<1000xf32>
    %broadcast_in_dim3A = vector.shape_cast %div3A_13 : vector<1000xf32> to vector<1000x1xf32>
    %get3A_14 = arith.constant 0 : index
    %get3A_15 = arith.constant 0 : index
    %get3A_16 = arith.constant 0 : index
    %get3A_17 = vector.load %arg1[%get3A_14, %get3A_15, %get3A_16] : memref<2x1000x128xf32, #tpu.memory_space<vmem>>, vector<1x1000x128xf32>
    %get3A_18 = vector.shape_cast %get3A_17 : vector<1x1000x128xf32> to vector<1000x128xf32>
    %get3A_19 = arith.constant 1 : index
    %get3A_20 = arith.constant 0 : index
    %get3A_21 = arith.constant 0 : index
    %get3A_22 = vector.load %arg1[%get3A_19, %get3A_20, %get3A_21] : memref<2x1000x128xf32, #tpu.memory_space<vmem>>, vector<1x1000x128xf32>
    %get3A_23 = vector.shape_cast %get3A_22 : vector<1x1000x128xf32> to vector<1000x128xf32>
    %add3A_24 = arith.addf %get3A_18, %get3A_23 : vector<1000x128xf32>
    %get3A_25 = arith.constant 0 : index
    %get3A_26 = arith.constant 0 : index
    %get3A_27 = vector.load %arg2[%get3A_25, %get3A_26] : memref<1000x128xf32, #tpu.memory_space<vmem>>, vector<1000x128xf32>
    %sub3A = arith.subf %add3A_24, %get3A_27 : vector<1000x128xf32>
    %mul3A = vector.broadcast %broadcast_in_dim3A : vector<1000x1xf32> to vector<1000x128xf32>
    %mul3A_28 = arith.mulf %sub3A, %mul3A : vector<1000x128xf32>
    %get3A_29 = arith.constant 0 : index
    %get3A_30 = arith.constant 0 : index
    %get3A_31 = vector.load %arg4[%get3A_29, %get3A_30] : memref<1x128xf32, #tpu.memory_space<vmem>>, vector<1x128xf32>
    %add3A_32 = vector.broadcast %get3A_31 : vector<1x128xf32> to vector<1000x128xf32>
    %add3A_33 = arith.addf %mul3A_28, %add3A_32 : vector<1000x128xf32>
    %gt3A = arith.constant 0.000000e+00 : f32
    %gt3A_34 = vector.broadcast %gt3A : f32 to vector<1000x128xf32>
    %gt3A_35 = arith.cmpf ogt, %add3A_33, %gt3A_34 : vector<1000x128xf32>
    %get3A_36 = arith.constant 0 : index
    %get3A_37 = arith.constant 0 : index
    %get3A_38 = vector.load %arg5[%get3A_36, %get3A_37] : memref<1x128xf32, #tpu.memory_space<vmem>>, vector<1x128xf32>
    %mul3A_39 = vector.broadcast %get3A_38 : vector<1x128xf32> to vector<1000x128xf32>
    %mul3A_40 = arith.mulf %mul3A_39, %add3A_33 : vector<1000x128xf32>
    %select_n3A = arith.select %gt3A_35, %add3A_33, %mul3A_40 : vector<1000x128xi1>, vector<1000x128xf32>
    %get3A_41 = arith.constant 0 : index
    %get3A_42 = arith.constant 0 : index
    %get3A_43 = vector.load %arg6[%get3A_41, %get3A_42] : memref<128x128xf32, #tpu.memory_space<vmem>>, vector<128x128xf32>
    %dot_general3A = arith.constant dense<0.000000e+00> : vector<1000x128xf32>
    %dot_general3A_44 = tpu.matmul %select_n3A, %get3A_43, %dot_general3A {dimension_numbers = #tpu.dot_dimension_numbers<[1], [0], [0], [1], [0, 0, 1, 1], [], []>, transpose_lhs_hint = false} : vector<1000x128xf32>, vector<128x128xf32>, vector<1000x128xf32> -> vector<1000x128xf32>
    %mul3A_45 = vector.broadcast %broadcast_in_dim3A : vector<1000x1xf32> to vector<1000x128xf32>
    %mul3A_46 = arith.mulf %dot_general3A_44, %mul3A_45 : vector<1000x128xf32>
    %swap3A = arith.constant 0 : index
    %swap3A_47 = arith.constant 0 : index
    %swap3A_48 = vector.load %arg7[%swap3A, %swap3A_47] : memref<1000x128xf32, #tpu.memory_space<vmem>>, vector<1000x128xf32>
    tpu.vector_store %arg7[%swap3A, %swap3A_47], %mul3A_46 {strides = array<i32>} : memref<1000x128xf32, #tpu.memory_space<vmem>>, vector<1000x128xf32>,
    return
  }
  func.func @transform_0(%arg0: i32) -> (i32, i32, i32) {
    %c0_i32 = arith.constant 0 : i32
    %c0_i32_0 = arith.constant 0 : i32
    %c0_i32_1 = arith.constant 0 : i32
    return %c0_i32, %arg0, %c0_i32_0 : i32, i32, i32
  }
  func.func @transform_1(%arg0: i32) -> (i32, i32) {
    %c0_i32 = arith.constant 0 : i32
    %c0_i32_0 = arith.constant 0 : i32
    return %arg0, %c0_i32 : i32, i32
  }
  func.func @transform_2(%arg0: i32) -> (i32, i32, i32) {
    %c0_i32 = arith.constant 0 : i32
    %c0_i32_0 = arith.constant 0 : i32
    %c0_i32_1 = arith.constant 0 : i32
    return %c0_i32, %arg0, %c0_i32_0 : i32, i32, i32
  }
  func.func @transform_3(%arg0: i32) -> (i32, i32) {
    %c0_i32 = arith.constant 0 : i32
    %c0_i32_0 = arith.constant 0 : i32
    %c0_i32_1 = arith.constant 0 : i32
    return %c0_i32, %c0_i32_0 : i32, i32
  }
  func.func @transform_4(%arg0: i32) -> (i32, i32) {
    %c0_i32 = arith.constant 0 : i32
    %c0_i32_0 = arith.constant 0 : i32
    %c0_i32_1 = arith.constant 0 : i32
    return %c0_i32, %c0_i32_0 : i32, i32
  }
  func.func @transform_5(%arg0: i32) -> (i32, i32) {
    %c0_i32 = arith.constant 0 : i32
    %c0_i32_0 = arith.constant 0 : i32
    %c0_i32_1 = arith.constant 0 : i32
    return %c0_i32, %c0_i32_0 : i32, i32
  }
  func.func @transform_6(%arg0: i32) -> (i32, i32) {
    %c0_i32 = arith.constant 0 : i32
    %c0_i32_0 = arith.constant 0 : i32
    return %arg0, %c0_i32 : i32, i32
  }
}

module attributes {stable_mosaic.version = 14 : i64} {
  func.func @body(%arg0: i32, %arg1: memref<2x1000x128xf32, #tpu.memory_space<vmem>>, %arg2: memref<1000x128xf32, #tpu.memory_space<vmem>>, %arg3: memref<2x1000x16xf32, #tpu.memory_space<vmem>>, %arg4: memref<1x128xf32, #tpu.memory_space<vmem>>, %arg5: memref<1x128xf32, #tpu.memory_space<vmem>>, %arg6: memref<1000x128xf32, #tpu.memory_space<vmem>>) attributes {dimension_semantics = [#tpu.dimension_semantics<arbitrary>], iteration_bounds = array<i64: 10>, scalar_prefetch = 0 : i64, scratch_operands = 0 : i64, tpu.core_type = #tpu.core_type<tc>, window_params = [{transform_indices = @transform_0, window_bounds = array<i64: 2, 1000, 128>}, {transform_indices = @transform_1, window_bounds = array<i64: 1000, 128>}, {transform_indices = @transform_2, window_bounds = array<i64: 2, 1000, 16>}, {pipeline_mode = #tpu.pipeline_mode<synchronous>, transform_indices = @transform_3, window_bounds = array<i64: 1, 128>}, {pipeline_mode = #tpu.pipeline_mode<synchronous>, transform_indices = @transform_4, window_bounds = array<i64: 1, 128>}, {transform_indices = @transform_5, window_bounds = array<i64: 1000, 128>}]} {
    %get3A = arith.constant 0 : index
    %get3A_0 = arith.constant 0 : index
    %get3A_1 = arith.constant 0 : index
    %get3A_2 = vector.load %arg3[%get3A, %get3A_0, %get3A_1] : memref<2x1000x16xf32, #tpu.memory_space<vmem>>, vector<1x1000x1xf32>
    %get3A_3 = vector.shape_cast %get3A_2 : vector<1x1000x1xf32> to vector<1000xf32>
    %get3A_4 = arith.constant 1 : index
    %get3A_5 = arith.constant 0 : index
    %get3A_6 = arith.constant 0 : index
    %get3A_7 = vector.load %arg3[%get3A_4, %get3A_5, %get3A_6] : memref<2x1000x16xf32, #tpu.memory_space<vmem>>, vector<1x1000x1xf32>
    %get3A_8 = vector.shape_cast %get3A_7 : vector<1x1000x1xf32> to vector<1000xf32>
    %add3A = arith.addf %get3A_3, %get3A_8 : vector<1000xf32>
    %add3A_9 = arith.constant 1.000000e+00 : f32
    %add3A_10 = vector.broadcast %add3A_9 : f32 to vector<1000xf32>
    %add3A_11 = arith.addf %add3A, %add3A_10 : vector<1000xf32>
    %sqrt3A = math.sqrt %add3A_11 : vector<1000xf32>
    %div3A = arith.constant 1.000000e+00 : f32
    %div3A_12 = vector.broadcast %div3A : f32 to vector<1000xf32>
    %div3A_13 = arith.divf %div3A_12, %sqrt3A : vector<1000xf32>
    %broadcast_in_dim3A = vector.shape_cast %div3A_13 : vector<1000xf32> to vector<1000x1xf32>
    %get3A_14 = arith.constant 0 : index
    %get3A_15 = arith.constant 0 : index
    %get3A_16 = arith.constant 0 : index
    %get3A_17 = vector.load %arg1[%get3A_14, %get3A_15, %get3A_16] : memref<2x1000x128xf32, #tpu.memory_space<vmem>>, vector<1x1000x128xf32>
    %get3A_18 = vector.shape_cast %get3A_17 : vector<1x1000x128xf32> to vector<1000x128xf32>
    %get3A_19 = arith.constant 1 : index
    %get3A_20 = arith.constant 0 : index
    %get3A_21 = arith.constant 0 : index
    %get3A_22 = vector.load %arg1[%get3A_19, %get3A_20, %get3A_21] : memref<2x1000x128xf32, #tpu.memory_space<vmem>>, vector<1x1000x128xf32>
    %get3A_23 = vector.shape_cast %get3A_22 : vector<1x1000x128xf32> to vector<1000x128xf32>
    %add3A_24 = arith.addf %get3A_18, %get3A_23 : vector<1000x128xf32>
    %get3A_25 = arith.constant 0 : index
    %get3A_26 = arith.constant 0 : index
    %get3A_27 = vector.load %arg2[%get3A_25, %get3A_26] : memref<1000x128xf32, #tpu.memory_space<vmem>>, vector<1000x128xf32>
    %sub3A = arith.subf %add3A_24, %get3A_27 : vector<1000x128xf32>
    %mul3A = vector.broadcast %broadcast_in_dim3A : vector<1000x1xf32> to vector<1000x128xf32>
    %mul3A_28 = arith.mulf %sub3A, %mul3A : vector<1000x128xf32>
    %get3A_29 = arith.constant 0 : index
    %get3A_30 = arith.constant 0 : index
    %get3A_31 = vector.load %arg4[%get3A_29, %get3A_30] : memref<1x128xf32, #tpu.memory_space<vmem>>, vector<1x128xf32>
    %add3A_32 = vector.broadcast %get3A_31 : vector<1x128xf32> to vector<1000x128xf32>
    %add3A_33 = arith.addf %mul3A_28, %add3A_32 : vector<1000x128xf32>
    %gt3A = arith.constant 0.000000e+00 : f32
    %gt3A_34 = vector.broadcast %gt3A : f32 to vector<1000x128xf32>
    %gt3A_35 = arith.cmpf ogt, %add3A_33, %gt3A_34 : vector<1000x128xf32>
    %get3A_36 = arith.constant 0 : index
    %get3A_37 = arith.constant 0 : index
    %get3A_38 = vector.load %arg5[%get3A_36, %get3A_37] : memref<1x128xf32, #tpu.memory_space<vmem>>, vector<1x128xf32>
    %mul3A_39 = vector.broadcast %get3A_38 : vector<1x128xf32> to vector<1000x128xf32>
    %mul3A_40 = arith.mulf %mul3A_39, %add3A_33 : vector<1000x128xf32>
    %select_n3A = arith.select %gt3A_35, %add3A_33, %mul3A_40 : vector<1000x128xi1>, vector<1000x128xf32>
    %swap3A = arith.constant 0 : index
    %swap3A_41 = arith.constant 0 : index
    %swap3A_42 = vector.load %arg6[%swap3A, %swap3A_41] : memref<1000x128xf32, #tpu.memory_space<vmem>>, vector<1000x128xf32>
    tpu.vector_store %arg6[%swap3A, %swap3A_41], %select_n3A {strides = array<i32>} : memref<1000x128xf32, #tpu.memory_space<vmem>>, vector<1000x128xf32>,
    return
  }
  func.func @transform_0(%arg0: i32) -> (i32, i32, i32) {
    %c0_i32 = arith.constant 0 : i32
    %c0_i32_0 = arith.constant 0 : i32
    %c0_i32_1 = arith.constant 0 : i32
    return %c0_i32, %arg0, %c0_i32_0 : i32, i32, i32
  }
  func.func @transform_1(%arg0: i32) -> (i32, i32) {
    %c0_i32 = arith.constant 0 : i32
    %c0_i32_0 = arith.constant 0 : i32
    return %arg0, %c0_i32 : i32, i32
  }
  func.func @transform_2(%arg0: i32) -> (i32, i32, i32) {
    %c0_i32 = arith.constant 0 : i32
    %c0_i32_0 = arith.constant 0 : i32
    %c0_i32_1 = arith.constant 0 : i32
    return %c0_i32, %arg0, %c0_i32_0 : i32, i32, i32
  }
  func.func @transform_3(%arg0: i32) -> (i32, i32) {
    %c0_i32 = arith.constant 0 : i32
    %c0_i32_0 = arith.constant 0 : i32
    %c0_i32_1 = arith.constant 0 : i32
    return %c0_i32, %c0_i32_0 : i32, i32
  }
  func.func @transform_4(%arg0: i32) -> (i32, i32) {
    %c0_i32 = arith.constant 0 : i32
    %c0_i32_0 = arith.constant 0 : i32
    %c0_i32_1 = arith.constant 0 : i32
    return %c0_i32, %c0_i32_0 : i32, i32
  }
  func.func @transform_5(%arg0: i32) -> (i32, i32) {
    %c0_i32 = arith.constant 0 : i32
    %c0_i32_0 = arith.constant 0 : i32
    return %arg0, %c0_i32 : i32, i32
  }
}

</mosaic_0001>

<sc_bundles>
// kernel: kernel.11.cloned.1.call-start
scs
__scs_entry_jumppad:
0x0: {  	(pc) =	sbr.rel $0x88, $3  }
0x1: {  	(tag) =	ssettag $0x0;
	lr =	simm.s32 $0x1  }
0x2: {  	[smem:$0x3F9A] =	sst lr;
	_ =	strace $0xD0000000  }
0x3: {  	_ = 	snop  }
0x4: {  	_ = 	snop  }
0x5: {  	_ = 	snop  }
0x6: {  	_ = 	snop  }
0x7: {  	_ = 	snop  }
__scs_overlays_trampoline_lowered:
0x8: {  	[smem:$0x3FA9] =	sst s0  }
0x9: {  	[smem:$0x3FAA] =	sst s1  }
0xa: {  	[smem:$0x3FAB] =	sst s2  }
0xb: {  	[smem:$0x3FAC] =	sst s3  }
0xc: {  	[smem:$0x3FAD] =	sst s4  }
0xd: {  	[smem:$0x3FAE] =	sst s5  }
0xe: {  	[smem:$0x3FAF] =	sst s6  }
0xf: {  	[smem:$0x3FB0] =	sst s7  }
0x10: {  	[smem:$0x3FB1] =	sst s8  }
0x11: {  	[smem:$0x3FB2] =	sst s9;
	s0 =	simm.s32 @!p0 $0x0  }
0x12: {  	s1 =	sld [smem:$0x3F98];
	s0 =	simm.s32 @p0 $0x1  }
0x13: {  	[smem:$0x3FB3] =	sst s0;
	s0 =	simm.s32 @!p1 $0x0  }
0x14: {  	s2 =	sld [smem:$0x3F97];
	s0 =	simm.s32 @p1 $0x1  }
0x15: {  	[smem:$0x3FB4] =	sst s0;
	s0 =	simm.s32 @!p2 $0x0  }
0x16: {  	s3 =	sld [smem:$0x3FDB];
	s0 =	simm.s32 @p2 $0x1  }
0x17: {  	s4 =	simm.s32 $0x1BF5;
	[smem:$0x3FB6] =	sst s0  }
0x18: {  	s0 =	sld [smem:$0x3F99];
	_ =	swait.ge [sflag:s4], $0x0  }
0x19: {  	s7 =	sld [smem:$0x3F9A]  }
0x1a: {  	s8 =	sadd.s32 $0xFFFFE003, lr  }
0x1b: {  	s9 =	sadd.s32 $0xFFFFFEF7, lr;
	s5 =	simm.s32 $0xFFFFFFFF;
	p2 =	slt.u32 s8, $0xFFFFF086  }
0x1c: {  	p1 =	slt.u32 s9, $0xF7A;
	s5 =	simm.s32 @!p2 $0x0  }
0x1d: {  	s5 =	simm.s32 @p1 $0x1;
	p0 =	seq.s32 s7, s2  }
0x1e: {  	s7 =	smul.u32 @!p0 $0xF7A, s2;
	p2 =	seq.s32 @!p0 s5, $0x0  }
0x1f: {  	s9 =	smul.u32 $0xF7A, s1;
	s8 =	simm.s32 @!p0 $0x1BF5;
	p2 =	por !p2, p0  }
0x20: {  	[sflag:s8] =	ssyncset.s32 @!p0 $0xFFFFF086;
	s6 =	sadd.s32 @!p0 s3, s7;
	s7 =	simm.s32 @!p0 $0x108  }
0x21: {  	s3 =	sadd.s32 s3, s9;
	s6 =	sadd.s32 @!p0 $0x88, s6;
	s7 =	simm.s32 @p2 $0x1082  }
0x22: {  	[simem:s7], [sflag:s8] =	dma.local @!p0 [hbm:s6], $0xF7A  }
0x23: {  	s9 =	sor.u32 $0xD0000000, s2;
	s6 =	simm.s32 $0x108;
	_ =	swait.ge @!p0 [sflag:s8], $0x0  }
0x24: {  	s3 =	sadd.s32 $0x88, s3;
	s6 =	simm.s32 @!p1 $0x1082;
	[sflag:s4] =	ssyncset.s32 $0xFFFFF086  }
0x25: {  	[simem:s6], [sflag:s4] =	dma.local [hbm:s3], $0xF7A  }
0x26: {  	[smem:$0x3F9A] =	sst s1;
	(tag) =	ssettag s2;
	_ =	strace s9  }
0x27: {  	s1 =	sld [smem:$0x3FAA]  }
0x28: {  	s2 =	sld [smem:$0x3FAB]  }
0x29: {  	s4 =	sld [smem:$0x3FAD]  }
0x2a: {  	p0 =	seq.s32 s5, $0x0;
	s5 =	sld [smem:$0x3FAE]  }
0x2b: {  	s6 =	sld [smem:$0x3FAF]  }
0x2c: {  	s7 =	sld [smem:$0x3FB0]  }
0x2d: {  	s3 =	simm.s32 $0x108;
	s8 =	sld [smem:$0x3FB1]  }
0x2e: {  	s3 =	simm.s32 @!p0 $0x1082;
	s9 =	sld [smem:$0x3FB2]  }
0x2f: {  	lr =	sadd.s32 s0, s3;
	s0 =	sld [smem:$0x3FA9]  }
0x30: {  	s3 =	sld [smem:$0x3FAC]  }
0x31: {  	[smem:$0x3FB5] =	sst s10  }
0x32: {  	s10 =	sld [smem:$0x3FB3];
	_ =	sdelay $0x3  }
0x33: {  	p0 =	seq.s32 s10, $0x1;
	s10 =	sld [smem:$0x3FB5];
	_ =	sdelay $0x3  }
0x34: {  	[smem:$0x3FB5] =	sst s10  }
0x35: {  	s10 =	sld [smem:$0x3FB4];
	_ =	sdelay $0x3  }
0x36: {  	p1 =	seq.s32 s10, $0x1;
	s10 =	sld [smem:$0x3FB5];
	_ =	sdelay $0x3  }
0x37: {  	[smem:$0x3FB5] =	sst s10  }
0x38: {  	s10 =	sld [smem:$0x3FB6]  }
0x39: {  	_ = 	snop;
	(pc) =	sbr.ind lr, $3  }
0x3a: {  	_ = 	snop  }
0x3b: {  	_ = 	snop  }
0x3c: {  	p2 =	seq.s32 s10, $0x1;
	s10 =	sld [smem:$0x3FB5]  }
0x3d: {  	_ =	shalt  }
0x3e: {  	_ =	shalt  }
0x3f: {  	_ =	shalt  }
0x40: {  	_ =	shalt  }
0x41: {  	_ =	shalt  }
0x42: {  	_ =	shalt  }
0x43: {  	_ =	shalt  }
0x44: {  	_ =	shalt  }
0x45: {  	_ =	shalt  }
0x46: {  	_ =	shalt  }
0x47: {  	_ =	shalt  }
0x48: {  	_ =	shalt  }
0x49: {  	_ =	shalt  }
0x4a: {  	_ =	shalt  }
0x4b: {  	_ =	shalt  }
0x4c: {  	_ =	shalt  }
0x4d: {  	_ =	shalt  }
0x4e: {  	_ =	shalt  }
0x4f: {  	_ =	shalt  }
0x50: {  	_ =	shalt  }
0x51: {  	_ =	shalt  }
0x52: {  	_ =	shalt  }
0x53: {  	_ =	shalt  }
0x54: {  	_ =	shalt  }
0x55: {  	_ =	shalt  }
0x56: {  	_ =	shalt  }
0x57: {  	_ =	shalt  }
0x58: {  	_ =	shalt  }
0x59: {  	_ =	shalt  }
0x5a: {  	_ =	shalt  }
0x5b: {  	_ =	shalt  }
0x5c: {  	_ =	shalt  }
0x5d: {  	_ =	shalt  }
0x5e: {  	_ =	shalt  }
0x5f: {  	_ =	shalt  }
0x60: {  	_ =	shalt  }
0x61: {  	_ =	shalt  }
0x62: {  	_ =	shalt  }
0x63: {  	_ =	shalt  }
0x64: {  	_ =	shalt  }
0x65: {  	_ =	shalt  }
0x66: {  	_ =	shalt  }
0x67: {  	_ =	shalt  }
0x68: {  	_ =	shalt  }
0x69: {  	_ =	shalt  }
0x6a: {  	_ =	shalt  }
0x6b: {  	_ =	shalt  }
0x6c: {  	_ =	shalt  }
0x6d: {  	_ =	shalt  }
0x6e: {  	_ =	shalt  }
0x6f: {  	_ =	shalt  }
0x70: {  	_ =	shalt  }
0x71: {  	_ =	shalt  }
0x72: {  	_ =	shalt  }
0x73: {  	_ =	shalt  }
0x74: {  	_ =	shalt  }
0x75: {  	_ =	shalt  }
0x76: {  	_ =	shalt  }
0x77: {  	_ =	shalt  }
0x78: {  	_ =	shalt  }
0x79: {  	_ =	shalt  }
0x7a: {  	_ =	shalt  }
0x7b: {  	_ =	shalt  }
0x7c: {  	_ =	shalt  }
0x7d: {  	_ =	shalt  }
0x7e: {  	_ =	shalt  }
0x7f: {  	_ =	shalt  }
0x80: {  	_ =	shalt  }
0x81: {  	_ =	shalt  }
0x82: {  	_ =	shalt  }
0x83: {  	_ =	shalt  }
0x84: {  	_ =	shalt  }
0x85: {  	_ =	shalt  }
0x86: {  	_ =	shalt  }
0x87: {  	_ =	shalt  }
.Lfunc_end0:
.L_simem_size_0:
called_computation.1_lowered:
.L_overlay_start_0:
0x88: {  	s2 =	sld [smem:$0x3FD9]  }
0x89: {  	s3 =	sld [smem:$0x3FFE];
	_ =	sdelay $0x1  }
0x8a: {  	s1 =	srdreg.scid  }
0x8b: {  	s0 =	sand.u32 $0x1, s1  }
0x8c: {  	s16 =	sshll.u32 s0, $0xA;
	s2 =	sadd.s32 s3, s2  }
0x8d: {  	s2 =	sadd.s32 s2, s16  }
0x8e: {  	[smem:$0x3FC1] =	sst s2  }
0x8f: {  	_ = 	snop  }
0x90: {  	(tm) =	ssettm $0x1  }
0x91: {  	s17 =	sld [smem:$0x3FFB];
	_ =	sdelay $0x3  }
0x92: {  	_ =	strace s17  }
0x93: {  	s2 =	sld [smem:$0x3FFC];
	_ =	sdelay $0x3  }
0x94: {  	_ =	strace s2  }
0x95: {  	s2 =	sld [smem:$0x3FFD];
	_ =	sdelay $0x3  }
0x96: {  	_ =	strace s2  }
0x97: {  	_ =	strace $0x8FFFFFFF  }
0x98: {  	s18 =	sld [smem:$0x3FDB];
	_ =	sdelay $0x1  }
0x99: {  	s19 =	simm.s32 $_scs_section_size  }
0x9a: {  	s4 =	simm.s32 $_size__tile_overlayer_lowered;
	s5 =	simm.s32 $_tile_overlayer_lowered  }
0x9b: {  	s22 =	simm.s32 $0x1BFF;
	s21 =	sshll.u32 s5, $0x1;
	s2 =	sadd.s32 s19, s18  }
0x9c: {  	s6 =	simm.s32 $0x0;
	s20 =	sshll.u32 s4, $0x1;
	s4 =	sadd.s32 s21, s2  }
0x9d: {  	[timem:s6], [sflag:s22] =	dma.local [hbm:s4], s20  }
0x9e: {  	_ =	swait.ge [sflag:s22], s20  }
0x9f: {  	s3 =	ssub.s32 $0x0, s20;
	[sflag:s22] =	ssyncset.done $0x0  }
0xa0: {  	[sflag:s22] =	ssyncadd.s32 s3;
	_ =	sdelay $0x1  }
0xa1: {  	s23 =	simm.s32 $0x1B8B  }
0xa2: {  	_ =	swait.ge [sflag:s23], $0x1  }
0xa3: {  	[sflag:s23] =	ssyncset.done $0x0  }
0xa4: {  	s25 =	simm.s32 $0x1B8E;
	s24 =	sld [smem:$0x3FFE];
	[sflag:s23] =	ssyncadd.s32 $0xFFFFFFFF  }
0xa5: {  	s26 =	simm.s32 $execute0_lowered;
	[smem:$0x3FD2] =	sst s25  }
0xa6: {  	s4 =	sshll.u32 s26, $0x1;
	_ =	strace $0x80000049;
	[dreg:$0x1] =	wrdreg $0xFFFFFFFF  }
0xa7: {  	s28 =	simm.s32 $_size_execute0_lowered;
	s2 =	sadd.s32 s2, s4;
	[dreg:$0x0] =	wrdreg $0x0  }
0xa8: {  	s4 =	sshll.u32 s28, $0x1;
	[dreg:$0x2] =	wrdreg s2  }
0xa9: {  	[dreg:$0x3] =	wrdreg s4  }
0xaa: {  	[dreg:$0x4] =	wrdreg $0xC0  }
0xab: {  	_ =	task [dreg:s6], $0x5FFFF  }
0xac: {  	[dreg:$0x1] =	wrdreg $0xFFFFFFFF  }
0xad: {  	[dreg:$0x0] =	wrdreg $0x60  }
0xae: {  	[dreg:$0x2] =	wrdreg s24  }
0xaf: {  	[dreg:$0x3] =	wrdreg $0x41000  }
0xb0: {  	[dreg:$0x4] =	wrdreg $0x9  }
0xb1: {  	_ =	task.clear_ibuf [dreg:s6], $0x5FFFF;
	_ =	strace $0x90000049  }
0xb2: {  	s29 =	simm.s32 $0x9;
	_ =	strace $0x8000004B  }
0xb3: {  	_ =	swait.ge [sflag:s29], $0x1  }
0xb4: {  	[sflag:s29] =	ssyncadd.s32 $0xFFFFFFFF  }
0xb5: {  	_ =	strace $0x9000004B  }
0xb6: {  	_ =	sfence  }
0xb7: {  	s30 =	sld [smem:$0x0];
	_ =	sdelay $0x2  }
0xb8: {  	s31 =	sshll.u32 s1, $0xD;
	s1 =	sshrl.u32 s1, $0x2  }
0xb9: {  	s3 =	sand.u32 $0x4000, s31;
	s1 =	sadd.s32 s1, s30  }
0xba: {  	s0 =	sor.u32 s3, s0;
	s1 =	sshll.u32 s1, $0x11  }
0xbb: {  	s0 =	sor.u32 s1, s0  }
0xbc: {  	s0 =	sadd.s32 $0x8F2B, s0  }
0xbd: {  	[sflag:s0] =	ssyncadd.remote.s32 $0x1  }
0xbe: {  	_ =	sfence.sel $0xFFFF  }
0xbf: {  	[dreg:$0x0] =	wrdreg $0xFFFFFFFF;
	(pc) =	sbr.abs _section_cstart, $3  }
0xc0: {  	[dreg:$0x1] =	wrdreg $0xFFFFFFFF  }
0xc1: {  	_ =	task.clear_ibuf [dreg:s6], $0x2FFFF;
	_ =	strace $0x9FFFFFFF  }
0xc2: {  	(tm) =	ssettm $0x7FFFFFFF  }
0xc3: {  	_ =	shalt  }
tec
execute0_lowered:
.L_overlay_start_1:
0x0: {  	(tag) =	ssettag $0x1  }
0x1: {  	s7 =	rddreg [dreg:$0x0]  }
0x2: {  	s2 =	rddreg [dreg:$0x1]  }
0x3: {  	s0 =	rddreg [dreg:$0x2]  }
0x4: {  	s4 =	srdreg.scid;
	s1 =	stileid.u32  }
0x5: {  	s3 =	simm.s32 $0x0;
	s15 =	simm.s32 $0x100;
	s16 =	simm.s32 $0x1  }
0x6: {  	s17 =	simm.s32 $0x0;
	s8 =	sand.u32 $0x1, s4;
	s9 =	smul.u32 $0x13C00, s1  }
0x7: {  	[smem:$0x7FF] =	sst s3;
	s4 =	sadd.s32 $0x6A800, s7;
	s5 =	sadd.s32 $0x11800, s7  }
0x8: {  	s13 =	sshll.u32 s1, $0x1;
	s14 =	smul.u32 $0x4F000, s1;
	s30 =	sshll.u32 s1, $0x6  }
0x9: {  	s6 =	smul.u32 $0x13C000, s8;
	_ =	strace $0x8000004A;
	s11 =	ssub.s32 $0x2, s8  }
0xa: {  	s26 =	sor.u32 s8, s13;
	s8 =	sor.u32 $0x1C02, s30;
	s13 =	simm.s32 $0x2  }
0xb: {  	s12 =	sshrl.u32 s11, $0x1;
	s28 =	sshrl.u32 s14, $0x2;
	s29 =	sshrl.u32 s9, $0x3  }
0xc: {  	s14 =	simm.s32 $0x80;
	s10 =	sadd.s32 s9, s6;
	s6 =	sadd.s32 $0x2600, s7  }
0xd: {  	s11 =	ssub.s32 s11, s12;
	s31 =	sadd.s32 s28, s2;
	s10 =	sshrl.u32 s10, $0x3  }
0xe: {  	s9 =	smul.u32 $0x2800, s26;
	s11 =	smax.u32 s11, $0x1;
	s10 =	sadd.s32 s10, s7  }
0xf: {  	s12 =	sshrl.u32 s31, $0x3;
	s7 =	sadd.s32 s4, s29;
	s10 =	sadd.s32 $0x92000, s10  }
.LBB2_1:
0x10: {  	[spmem:s12], [sflag:s8] =	dma.local [hbm:s7], $0x2780  }
0x11: {  	s18 =	sand.u32 $0x3C00, s3  }
0x12: {  	s19 =	sand.u32 $0x380, s3;
	_ =	swait.ge [sflag:s13], $0x2780;
	s18 =	sadd.s32 s9, s18  }
0x13: {  	[sflag:s13] =	ssyncset.done $0x0;
	s18 =	sor.u32 s19, s18  }
0x14: {  	[sflag:s13] =	ssyncadd.s32 $0xFFFFD880;
	s18 =	sshrl.u32 s18, $0x3  }
0x15: {  	[bflag:$0x0] =	sbarrier.arrive $0xFFFF;
	s29 =	sadd.s32 s5, s18  }
0x16: {  	[tilespmem:s3], [sflag:$0x2] =	stream.linear.gather [hbm4b:s29+s3], $0x80, $0x38;
	[tilespmem:$0x17D00] =	vst v63  }
0x17: {  	_ =	swait.ge [sflag:s13], $0x80  }
0x18: {  	[sflag:s13] =	ssyncset.done $0x0  }
0x19: {  	s18 =	sadd.s32 s6, s18;
	[sflag:s13] =	ssyncadd.s32 $0xFFFFFF80  }
0x1a: {  	[tilespmem:s14], [sflag:$0x2] =	stream.linear.gather [hbm4b:s18+s3], $0x80, $0x38;
	[tilespmem:$0x17D00] =	vst v63  }
0x1b: {  	_ =	swait.ge [sflag:s13], $0x80  }
0x1c: {  	[sflag:s13] =	ssyncset.done $0x0  }
0x1d: {  	[sflag:s13] =	ssyncadd.s32 $0xFFFFFF80  }
0x1e: {  	[tilespmem:s15], [sflag:$0x1] =	stream.indirect.gather [hbm4b:s4+s14], $0x80, s3, s14, $0xb8;
	[tilespmem:$0x17D00] =	vst v63  }
0x1f: {  	_ =	swait.ge [sflag:s16], $0x4000  }
0x20: {  	s30 =	simm.s32 $0x80;
	[sflag:s16] =	ssyncset.done $0x0  }
0x21: {  	s31 =	sand.u32 $0x3C00, s30;
	[sflag:s16] =	ssyncadd.s32 $0xFFFFC000  }
0x22: {  	[spmem:s2] =	stream.indirect.scatter.add.f32 [tilespmem:s15], [sflag:$0x2], $0x80, s14, s14, $0xb8;
	[tilespmem:$0x17D00] =	vst v63  }
0x23: {  	s20 =	sand.u32 $0x380, s30;
	s19 =	sadd.s32 s9, s31;
	_ =	swait.ge [sflag:s13], $0x4000  }
0x24: {  	s19 =	sor.u32 s20, s19;
	s18 =	simm.s32 $0x100;
	[sflag:s13] =	ssyncset.done $0x0  }
.LBB2_2:
0x25: {  	s19 =	sshrl.u32 s19, $0x3  }
0x26: {  	[sflag:s13] =	ssyncadd.s32 $0xFFFFC000;
	s20 =	smov.u32 s18;
	s21 =	sadd.s32 $0x80, s18  }
0x27: {  	p0 =	sne.s32 s18, $0x2780;
	s18 =	sadd.s32 s5, s19  }
0x28: {  	[tilespmem:s3], [sflag:$0x2] =	stream.linear.gather [hbm4b:s18+s3], $0x80, $0x38;
	[tilespmem:$0x17D00] =	vst v63  }
0x29: {  	_ =	swait.ge [sflag:s13], $0x80  }
0x2a: {  	[sflag:s13] =	ssyncset.done $0x0  }
0x2b: {  	s18 =	sadd.s32 s6, s19;
	[sflag:s13] =	ssyncadd.s32 $0xFFFFFF80  }
0x2c: {  	[tilespmem:s14], [sflag:$0x2] =	stream.linear.gather [hbm4b:s18+s3], $0x80, $0x38;
	[tilespmem:$0x17D00] =	vst v63  }
0x2d: {  	_ =	swait.ge [sflag:s13], $0x80  }
0x2e: {  	[sflag:s13] =	ssyncset.done $0x0  }
0x2f: {  	[sflag:s13] =	ssyncadd.s32 $0xFFFFFF80  }
0x30: {  	[tilespmem:s15], [sflag:$0x1] =	stream.indirect.gather [hbm4b:s4+s14], $0x80, s3, s14, $0xb8;
	[tilespmem:$0x17D00] =	vst v63  }
0x31: {  	_ =	swait.ge [sflag:s16], $0x4000  }
.Ltmp0:
0x32: {  	[sflag:s16] =	ssyncset.done $0x0;
	(pc) =	sbr.rel @p0 .LBB2_2-.Ltmp0, $4  }
0x33: {  	s18 =	sand.u32 $0x3C00, s20;
	[sflag:s16] =	ssyncadd.s32 $0xFFFFC000  }
0x34: {  	[spmem:s2] =	stream.indirect.scatter.add.f32 [tilespmem:s15], [sflag:$0x2], $0x80, s14, s14, $0xb8;
	[tilespmem:$0x17D00] =	vst v63  }
0x35: {  	s19 =	sand.u32 $0x380, s20;
	s18 =	sadd.s32 s9, s18;
	_ =	swait.ge [sflag:s13], $0x4000  }
0x36: {  	s19 =	sor.u32 s19, s18;
	s18 =	smov.u32 s21;
	[sflag:s13] =	ssyncset.done $0x0  }
0x37: {  	s18 =	sshrl.u32 s19, $0x3  }
0x38: {  	[sflag:s13] =	ssyncadd.s32 $0xFFFFC000;
	s19 =	sadd.s32 s5, s18  }
0x39: {  	[tilespmem:s3], [sflag:$0x2] =	stream.linear.gather [hbm4b:s19+s3], $0x80, $0x38;
	[tilespmem:$0x17D00] =	vst v63  }
0x3a: {  	_ =	swait.ge [sflag:s13], $0x80  }
0x3b: {  	[sflag:s13] =	ssyncset.done $0x0  }
0x3c: {  	s18 =	sadd.s32 s6, s18;
	[sflag:s13] =	ssyncadd.s32 $0xFFFFFF80  }
0x3d: {  	[tilespmem:s14], [sflag:$0x2] =	stream.linear.gather [hbm4b:s18+s3], $0x80, $0x38;
	[tilespmem:$0x17D00] =	vst v63  }
0x3e: {  	_ =	swait.ge [sflag:s13], $0x80  }
0x3f: {  	[sflag:s13] =	ssyncset.done $0x0  }
0x40: {  	[sflag:s13] =	ssyncadd.s32 $0xFFFFFF80  }
0x41: {  	[tilespmem:s15], [sflag:$0x1] =	stream.indirect.gather [hbm4b:s4+s14], $0x80, s3, s14, $0xb8;
	[tilespmem:$0x17D00] =	vst v63  }
0x42: {  	_ =	swait.ge [sflag:s16], $0x4000  }
0x43: {  	[sflag:s16] =	ssyncset.done $0x0  }
0x44: {  	[sflag:s16] =	ssyncadd.s32 $0xFFFFC000  }
0x45: {  	[spmem:s2] =	stream.indirect.scatter.add.f32 [tilespmem:s15], [sflag:$0x2], $0x80, s14, s14, $0xb8;
	[tilespmem:$0x17D00] =	vst v63  }
0x46: {  	_ =	swait.ge [sflag:s13], $0x4000  }
0x47: {  	s17 =	sadd.s32 $0x1, s17;
	[sflag:s13] =	ssyncset.done $0x0  }
0x48: {  	p0 =	sne.s32 s17, s11;
	[sflag:s13] =	ssyncadd.s32 $0xFFFFC000  }
.Ltmp1:
0x49: {  	[bflag:$0x0] =	sbarrier.arrive $0xFFFF;
	(pc) =	sbr.rel @p0 .LBB2_1-.Ltmp1, $4  }
0x4a: {  	[hbm:s10], [sflag:s8] =	dma.local [spmem:s12], $0x2780  }
0x4b: {  	_ =	swait.ge [sflag:s13], $0x2780  }
0x4c: {  	[sflag:s13] =	ssyncset.done $0x0  }
0x4d: {  	[sflag:s13] =	ssyncadd.s32 $0xFFFFD880  }
0x4e: {  	_ =	sfence.sel $0x180000  }
0x4f: {  	[bflag:$0x0] =	sbarrier.arrive $0xFFFF  }
0x50: {  	p0 =	sne.s32 s1, $0x0;
	_ =	strace $0x9000004A  }
0x51: {  	s0 =	sadd.s32 @!p0 $0x100000, s0;
	[bflag:$0x2] =	sbarrier.arrive $0xFFFF  }
0x52: {  	[sflag:s0] =	ssyncadd.tile.s32 @!p0 $0x1;
	_ =	shalt  }
.Lfunc_end2:
_tile_overlayer_lowered:
.L_overlay_start_2:
0x53: {  	(tag) =	ssettag $0x2  }
0x54: {  	s0 =	rddreg [dreg:$0x0];
	s2 =	stileid.u32  }
0x55: {  	s1 =	rddreg [dreg:$0x1];
	p0 =	sne.s32 s2, $0x0  }
0x56: {  	s3 =	rddreg [dreg:$0x2];
	[bflag:$0x3] =	sbarrier.arrive $0xFFFF;
	s2 =	simm.s32 @!p0 $0x1C02  }
0x57: {  	[timem:s3], [sflag:s2] =	dma.local @!p0 [hbm:s0], s1  }
0x58: {  	s0 =	simm.s32 @!p0 $0x2  }
0x59: {  	_ =	swait.ge @!p0 [sflag:s0], s1  }
0x5a: {  	s1 =	ssub.s32 @!p0 $0x0, s1;
	[sflag:s0] =	ssyncset.done @!p0 $0x0  }
0x5b: {  	[sflag:s0] =	ssyncadd.s32 @!p0 s1  }
0x5c: {  	[bflag:$0x3] =	sbarrier.arrive $0xFFFF  }
0x5d: {  	_ =	shalt  }

// kernel: kernel.14.cloned.1.call-start
scs
__scs_entry_jumppad:
0x0: {  	(pc) =	sbr.rel $0x88, $3  }
0x1: {  	(tag) =	ssettag $0x0;
	lr =	simm.s32 $0x1  }
0x2: {  	[smem:$0x3F9A] =	sst lr;
	_ =	strace $0xD0000000  }
0x3: {  	_ = 	snop  }
0x4: {  	_ = 	snop  }
0x5: {  	_ = 	snop  }
0x6: {  	_ = 	snop  }
0x7: {  	_ = 	snop  }
__scs_overlays_trampoline_lowered:
0x8: {  	[smem:$0x3FA9] =	sst s0  }
0x9: {  	[smem:$0x3FAA] =	sst s1  }
0xa: {  	[smem:$0x3FAB] =	sst s2  }
0xb: {  	[smem:$0x3FAC] =	sst s3  }
0xc: {  	[smem:$0x3FAD] =	sst s4  }
0xd: {  	[smem:$0x3FAE] =	sst s5  }
0xe: {  	[smem:$0x3FAF] =	sst s6  }
0xf: {  	[smem:$0x3FB0] =	sst s7  }
0x10: {  	[smem:$0x3FB1] =	sst s8  }
0x11: {  	[smem:$0x3FB2] =	sst s9;
	s0 =	simm.s32 @!p0 $0x0  }
0x12: {  	s1 =	sld [smem:$0x3F98];
	s0 =	simm.s32 @p0 $0x1  }
0x13: {  	[smem:$0x3FB3] =	sst s0;
	s0 =	simm.s32 @!p1 $0x0  }
0x14: {  	s2 =	sld [smem:$0x3F97];
	s0 =	simm.s32 @p1 $0x1  }
0x15: {  	[smem:$0x3FB4] =	sst s0;
	s0 =	simm.s32 @!p2 $0x0  }
0x16: {  	s3 =	sld [smem:$0x3FDB];
	s0 =	simm.s32 @p2 $0x1  }
0x17: {  	s4 =	simm.s32 $0x1BF5;
	[smem:$0x3FB6] =	sst s0  }
0x18: {  	s0 =	sld [smem:$0x3F99];
	_ =	swait.ge [sflag:s4], $0x0  }
0x19: {  	s7 =	sld [smem:$0x3F9A]  }
0x1a: {  	s8 =	sadd.s32 $0xFFFFE003, lr  }
0x1b: {  	s9 =	sadd.s32 $0xFFFFFEF7, lr;
	s5 =	simm.s32 $0xFFFFFFFF;
	p2 =	slt.u32 s8, $0xFFFFF086  }
0x1c: {  	p1 =	slt.u32 s9, $0xF7A;
	s5 =	simm.s32 @!p2 $0x0  }
0x1d: {  	s5 =	simm.s32 @p1 $0x1;
	p0 =	seq.s32 s7, s2  }
0x1e: {  	s7 =	smul.u32 @!p0 $0xF7A, s2;
	p2 =	seq.s32 @!p0 s5, $0x0  }
0x1f: {  	s9 =	smul.u32 $0xF7A, s1;
	s8 =	simm.s32 @!p0 $0x1BF5;
	p2 =	por !p2, p0  }
0x20: {  	[sflag:s8] =	ssyncset.s32 @!p0 $0xFFFFF086;
	s6 =	sadd.s32 @!p0 s3, s7;
	s7 =	simm.s32 @!p0 $0x108  }
0x21: {  	s3 =	sadd.s32 s3, s9;
	s6 =	sadd.s32 @!p0 $0x88, s6;
	s7 =	simm.s32 @p2 $0x1082  }
0x22: {  	[simem:s7], [sflag:s8] =	dma.local @!p0 [hbm:s6], $0xF7A  }
0x23: {  	s9 =	sor.u32 $0xD0000000, s2;
	s6 =	simm.s32 $0x108;
	_ =	swait.ge @!p0 [sflag:s8], $0x0  }
0x24: {  	s3 =	sadd.s32 $0x88, s3;
	s6 =	simm.s32 @!p1 $0x1082;
	[sflag:s4] =	ssyncset.s32 $0xFFFFF086  }
0x25: {  	[simem:s6], [sflag:s4] =	dma.local [hbm:s3], $0xF7A  }
0x26: {  	[smem:$0x3F9A] =	sst s1;
	(tag) =	ssettag s2;
	_ =	strace s9  }
0x27: {  	s1 =	sld [smem:$0x3FAA]  }
0x28: {  	s2 =	sld [smem:$0x3FAB]  }
0x29: {  	s4 =	sld [smem:$0x3FAD]  }
0x2a: {  	p0 =	seq.s32 s5, $0x0;
	s5 =	sld [smem:$0x3FAE]  }
0x2b: {  	s6 =	sld [smem:$0x3FAF]  }
0x2c: {  	s7 =	sld [smem:$0x3FB0]  }
0x2d: {  	s3 =	simm.s32 $0x108;
	s8 =	sld [smem:$0x3FB1]  }
0x2e: {  	s3 =	simm.s32 @!p0 $0x1082;
	s9 =	sld [smem:$0x3FB2]  }
0x2f: {  	lr =	sadd.s32 s0, s3;
	s0 =	sld [smem:$0x3FA9]  }
0x30: {  	s3 =	sld [smem:$0x3FAC]  }
0x31: {  	[smem:$0x3FB5] =	sst s10  }
0x32: {  	s10 =	sld [smem:$0x3FB3];
	_ =	sdelay $0x3  }
0x33: {  	p0 =	seq.s32 s10, $0x1;
	s10 =	sld [smem:$0x3FB5];
	_ =	sdelay $0x3  }
0x34: {  	[smem:$0x3FB5] =	sst s10  }
0x35: {  	s10 =	sld [smem:$0x3FB4];
	_ =	sdelay $0x3  }
0x36: {  	p1 =	seq.s32 s10, $0x1;
	s10 =	sld [smem:$0x3FB5];
	_ =	sdelay $0x3  }
0x37: {  	[smem:$0x3FB5] =	sst s10  }
0x38: {  	s10 =	sld [smem:$0x3FB6]  }
0x39: {  	_ = 	snop;
	(pc) =	sbr.ind lr, $3  }
0x3a: {  	_ = 	snop  }
0x3b: {  	_ = 	snop  }
0x3c: {  	p2 =	seq.s32 s10, $0x1;
	s10 =	sld [smem:$0x3FB5]  }
0x3d: {  	_ =	shalt  }
0x3e: {  	_ =	shalt  }
0x3f: {  	_ =	shalt  }
0x40: {  	_ =	shalt  }
0x41: {  	_ =	shalt  }
0x42: {  	_ =	shalt  }
0x43: {  	_ =	shalt  }
0x44: {  	_ =	shalt  }
0x45: {  	_ =	shalt  }
0x46: {  	_ =	shalt  }
0x47: {  	_ =	shalt  }
0x48: {  	_ =	shalt  }
0x49: {  	_ =	shalt  }
0x4a: {  	_ =	shalt  }
0x4b: {  	_ =	shalt  }
0x4c: {  	_ =	shalt  }
0x4d: {  	_ =	shalt  }
0x4e: {  	_ =	shalt  }
0x4f: {  	_ =	shalt  }
0x50: {  	_ =	shalt  }
0x51: {  	_ =	shalt  }
0x52: {  	_ =	shalt  }
0x53: {  	_ =	shalt  }
0x54: {  	_ =	shalt  }
0x55: {  	_ =	shalt  }
0x56: {  	_ =	shalt  }
0x57: {  	_ =	shalt  }
0x58: {  	_ =	shalt  }
0x59: {  	_ =	shalt  }
0x5a: {  	_ =	shalt  }
0x5b: {  	_ =	shalt  }
0x5c: {  	_ =	shalt  }
0x5d: {  	_ =	shalt  }
0x5e: {  	_ =	shalt  }
0x5f: {  	_ =	shalt  }
0x60: {  	_ =	shalt  }
0x61: {  	_ =	shalt  }
0x62: {  	_ =	shalt  }
0x63: {  	_ =	shalt  }
0x64: {  	_ =	shalt  }
0x65: {  	_ =	shalt  }
0x66: {  	_ =	shalt  }
0x67: {  	_ =	shalt  }
0x68: {  	_ =	shalt  }
0x69: {  	_ =	shalt  }
0x6a: {  	_ =	shalt  }
0x6b: {  	_ =	shalt  }
0x6c: {  	_ =	shalt  }
0x6d: {  	_ =	shalt  }
0x6e: {  	_ =	shalt  }
0x6f: {  	_ =	shalt  }
0x70: {  	_ =	shalt  }
0x71: {  	_ =	shalt  }
0x72: {  	_ =	shalt  }
0x73: {  	_ =	shalt  }
0x74: {  	_ =	shalt  }
0x75: {  	_ =	shalt  }
0x76: {  	_ =	shalt  }
0x77: {  	_ =	shalt  }
0x78: {  	_ =	shalt  }
0x79: {  	_ =	shalt  }
0x7a: {  	_ =	shalt  }
0x7b: {  	_ =	shalt  }
0x7c: {  	_ =	shalt  }
0x7d: {  	_ =	shalt  }
0x7e: {  	_ =	shalt  }
0x7f: {  	_ =	shalt  }
0x80: {  	_ =	shalt  }
0x81: {  	_ =	shalt  }
0x82: {  	_ =	shalt  }
0x83: {  	_ =	shalt  }
0x84: {  	_ =	shalt  }
0x85: {  	_ =	shalt  }
0x86: {  	_ =	shalt  }
0x87: {  	_ =	shalt  }
.Lfunc_end0:
.L_simem_size_0:
called_computation.2_lowered:
.L_overlay_start_0:
0x88: {  	s2 =	sld [smem:$0x3FD9]  }
0x89: {  	s3 =	sld [smem:$0x3FFE];
	_ =	sdelay $0x1  }
0x8a: {  	s1 =	srdreg.scid  }
0x8b: {  	s0 =	sand.u32 $0x1, s1  }
0x8c: {  	s16 =	sshll.u32 s0, $0xA;
	s2 =	sadd.s32 s3, s2  }
0x8d: {  	s2 =	sadd.s32 s2, s16  }
0x8e: {  	[smem:$0x3FC1] =	sst s2  }
0x8f: {  	_ = 	snop  }
0x90: {  	(tm) =	ssettm $0x1  }
0x91: {  	s17 =	sld [smem:$0x3FFB];
	_ =	sdelay $0x3  }
0x92: {  	_ =	strace s17  }
0x93: {  	s2 =	sld [smem:$0x3FFC];
	_ =	sdelay $0x3  }
0x94: {  	_ =	strace s2  }
0x95: {  	s2 =	sld [smem:$0x3FFD];
	_ =	sdelay $0x3  }
0x96: {  	_ =	strace s2  }
0x97: {  	_ =	strace $0x8FFFFFFF  }
0x98: {  	s18 =	sld [smem:$0x3FDB];
	_ =	sdelay $0x1  }
0x99: {  	s19 =	simm.s32 $_scs_section_size  }
0x9a: {  	s4 =	simm.s32 $_size__tile_overlayer_lowered;
	s5 =	simm.s32 $_tile_overlayer_lowered  }
0x9b: {  	s22 =	simm.s32 $0x1BFF;
	s21 =	sshll.u32 s5, $0x1;
	s2 =	sadd.s32 s19, s18  }
0x9c: {  	s6 =	simm.s32 $0x0;
	s20 =	sshll.u32 s4, $0x1;
	s4 =	sadd.s32 s21, s2  }
0x9d: {  	[timem:s6], [sflag:s22] =	dma.local [hbm:s4], s20  }
0x9e: {  	_ =	swait.ge [sflag:s22], s20  }
0x9f: {  	s3 =	ssub.s32 $0x0, s20;
	[sflag:s22] =	ssyncset.done $0x0  }
0xa0: {  	[sflag:s22] =	ssyncadd.s32 s3;
	_ =	sdelay $0x1  }
0xa1: {  	s23 =	simm.s32 $0x1B8B  }
0xa2: {  	_ =	swait.ge [sflag:s23], $0x1  }
0xa3: {  	[sflag:s23] =	ssyncset.done $0x0  }
0xa4: {  	s25 =	simm.s32 $0x1B8E;
	s24 =	sld [smem:$0x3FFE];
	[sflag:s23] =	ssyncadd.s32 $0xFFFFFFFF  }
0xa5: {  	s26 =	simm.s32 $execute0_lowered;
	[smem:$0x3FD2] =	sst s25  }
0xa6: {  	s4 =	sshll.u32 s26, $0x1;
	_ =	strace $0x8000004C;
	[dreg:$0x1] =	wrdreg $0xFFFFFFFF  }
0xa7: {  	s28 =	simm.s32 $_size_execute0_lowered;
	s2 =	sadd.s32 s2, s4;
	[dreg:$0x0] =	wrdreg $0x0  }
0xa8: {  	s4 =	sshll.u32 s28, $0x1;
	[dreg:$0x2] =	wrdreg s2  }
0xa9: {  	[dreg:$0x3] =	wrdreg s4  }
0xaa: {  	[dreg:$0x4] =	wrdreg $0xC0  }
0xab: {  	_ =	task [dreg:s6], $0x5FFFF  }
0xac: {  	[dreg:$0x1] =	wrdreg $0xFFFFFFFF  }
0xad: {  	[dreg:$0x0] =	wrdreg $0x60  }
0xae: {  	[dreg:$0x2] =	wrdreg s24  }
0xaf: {  	[dreg:$0x3] =	wrdreg $0x41000  }
0xb0: {  	[dreg:$0x4] =	wrdreg $0x9  }
0xb1: {  	_ =	task.clear_ibuf [dreg:s6], $0x5FFFF;
	_ =	strace $0x9000004C  }
0xb2: {  	s29 =	simm.s32 $0x9;
	_ =	strace $0x8000004E  }
0xb3: {  	_ =	swait.ge [sflag:s29], $0x1  }
0xb4: {  	[sflag:s29] =	ssyncadd.s32 $0xFFFFFFFF  }
0xb5: {  	_ =	strace $0x9000004E  }
0xb6: {  	_ =	sfence  }
0xb7: {  	s30 =	sld [smem:$0x0];
	_ =	sdelay $0x2  }
0xb8: {  	s31 =	sshll.u32 s1, $0xD;
	s1 =	sshrl.u32 s1, $0x2  }
0xb9: {  	s3 =	sand.u32 $0x4000, s31;
	s1 =	sadd.s32 s1, s30  }
0xba: {  	s0 =	sor.u32 s3, s0;
	s1 =	sshll.u32 s1, $0x11  }
0xbb: {  	s0 =	sor.u32 s1, s0  }
0xbc: {  	s0 =	sadd.s32 $0x8F2B, s0  }
0xbd: {  	[sflag:s0] =	ssyncadd.remote.s32 $0x1  }
0xbe: {  	_ =	sfence.sel $0xFFFF  }
0xbf: {  	[dreg:$0x0] =	wrdreg $0xFFFFFFFF;
	(pc) =	sbr.abs _section_cstart, $3  }
0xc0: {  	[dreg:$0x1] =	wrdreg $0xFFFFFFFF  }
0xc1: {  	_ =	task.clear_ibuf [dreg:s6], $0x2FFFF;
	_ =	strace $0x9FFFFFFF  }
0xc2: {  	(tm) =	ssettm $0x7FFFFFFF  }
0xc3: {  	_ =	shalt  }
tec
execute0_lowered:
.L_overlay_start_1:
0x0: {  	(tag) =	ssettag $0x1  }
0x1: {  	s7 =	rddreg [dreg:$0x0]  }
0x2: {  	s2 =	rddreg [dreg:$0x1]  }
0x3: {  	s0 =	rddreg [dreg:$0x2]  }
0x4: {  	s4 =	srdreg.scid;
	s1 =	stileid.u32  }
0x5: {  	s3 =	simm.s32 $0x0;
	s15 =	simm.s32 $0x100;
	s16 =	simm.s32 $0x1  }
0x6: {  	s17 =	simm.s32 $0x0;
	s8 =	sand.u32 $0x1, s4;
	s9 =	smul.u32 $0x13C00, s1  }
0x7: {  	[smem:$0x7FF] =	sst s3;
	s4 =	sadd.s32 $0x6A800, s7;
	s5 =	sadd.s32 $0x11800, s7  }
0x8: {  	s13 =	sshll.u32 s1, $0x1;
	s14 =	smul.u32 $0x4F000, s1;
	s30 =	sshll.u32 s1, $0x6  }
0x9: {  	s6 =	smul.u32 $0x13C000, s8;
	_ =	strace $0x8000004D;
	s11 =	ssub.s32 $0x2, s8  }
0xa: {  	s26 =	sor.u32 s8, s13;
	s8 =	sor.u32 $0x1C02, s30;
	s13 =	simm.s32 $0x2  }
0xb: {  	s12 =	sshrl.u32 s11, $0x1;
	s28 =	sshrl.u32 s14, $0x2;
	s29 =	sshrl.u32 s9, $0x3  }
0xc: {  	s14 =	simm.s32 $0x80;
	s10 =	sadd.s32 s9, s6;
	s6 =	sadd.s32 $0x2600, s7  }
0xd: {  	s11 =	ssub.s32 s11, s12;
	s31 =	sadd.s32 s28, s2;
	s10 =	sshrl.u32 s10, $0x3  }
0xe: {  	s9 =	smul.u32 $0x2800, s26;
	s11 =	smax.u32 s11, $0x1;
	s10 =	sadd.s32 s10, s7  }
0xf: {  	s12 =	sshrl.u32 s31, $0x3;
	s7 =	sadd.s32 s4, s29;
	s10 =	sadd.s32 $0x92000, s10  }
.LBB2_1:
0x10: {  	[spmem:s12], [sflag:s8] =	dma.local [hbm:s7], $0x2780  }
0x11: {  	s18 =	sand.u32 $0x3C00, s3  }
0x12: {  	s19 =	sand.u32 $0x380, s3;
	_ =	swait.ge [sflag:s13], $0x2780;
	s18 =	sadd.s32 s9, s18  }
0x13: {  	[sflag:s13] =	ssyncset.done $0x0;
	s18 =	sor.u32 s19, s18  }
0x14: {  	[sflag:s13] =	ssyncadd.s32 $0xFFFFD880;
	s18 =	sshrl.u32 s18, $0x3  }
0x15: {  	[bflag:$0x0] =	sbarrier.arrive $0xFFFF;
	s29 =	sadd.s32 s5, s18  }
0x16: {  	[tilespmem:s3], [sflag:$0x2] =	stream.linear.gather [hbm4b:s29+s3], $0x80, $0x38;
	[tilespmem:$0x17D00] =	vst v63  }
0x17: {  	_ =	swait.ge [sflag:s13], $0x80  }
0x18: {  	[sflag:s13] =	ssyncset.done $0x0  }
0x19: {  	s18 =	sadd.s32 s6, s18;
	[sflag:s13] =	ssyncadd.s32 $0xFFFFFF80  }
0x1a: {  	[tilespmem:s14], [sflag:$0x2] =	stream.linear.gather [hbm4b:s18+s3], $0x80, $0x38;
	[tilespmem:$0x17D00] =	vst v63  }
0x1b: {  	_ =	swait.ge [sflag:s13], $0x80  }
0x1c: {  	[sflag:s13] =	ssyncset.done $0x0  }
0x1d: {  	[sflag:s13] =	ssyncadd.s32 $0xFFFFFF80  }
0x1e: {  	[tilespmem:s15], [sflag:$0x1] =	stream.indirect.gather [hbm4b:s4+s14], $0x80, s3, s14, $0xb8;
	[tilespmem:$0x17D00] =	vst v63  }
0x1f: {  	_ =	swait.ge [sflag:s16], $0x4000  }
0x20: {  	s30 =	simm.s32 $0x80;
	[sflag:s16] =	ssyncset.done $0x0  }
0x21: {  	s31 =	sand.u32 $0x3C00, s30;
	[sflag:s16] =	ssyncadd.s32 $0xFFFFC000  }
0x22: {  	[spmem:s2] =	stream.indirect.scatter.add.f32 [tilespmem:s15], [sflag:$0x2], $0x80, s14, s14, $0xb8;
	[tilespmem:$0x17D00] =	vst v63  }
0x23: {  	s20 =	sand.u32 $0x380, s30;
	s19 =	sadd.s32 s9, s31;
	_ =	swait.ge [sflag:s13], $0x4000  }
0x24: {  	s19 =	sor.u32 s20, s19;
	s18 =	simm.s32 $0x100;
	[sflag:s13] =	ssyncset.done $0x0  }
.LBB2_2:
0x25: {  	s19 =	sshrl.u32 s19, $0x3  }
0x26: {  	[sflag:s13] =	ssyncadd.s32 $0xFFFFC000;
	s20 =	smov.u32 s18;
	s21 =	sadd.s32 $0x80, s18  }
0x27: {  	p0 =	sne.s32 s18, $0x2780;
	s18 =	sadd.s32 s5, s19  }
0x28: {  	[tilespmem:s3], [sflag:$0x2] =	stream.linear.gather [hbm4b:s18+s3], $0x80, $0x38;
	[tilespmem:$0x17D00] =	vst v63  }
0x29: {  	_ =	swait.ge [sflag:s13], $0x80  }
0x2a: {  	[sflag:s13] =	ssyncset.done $0x0  }
0x2b: {  	s18 =	sadd.s32 s6, s19;
	[sflag:s13] =	ssyncadd.s32 $0xFFFFFF80  }
0x2c: {  	[tilespmem:s14], [sflag:$0x2] =	stream.linear.gather [hbm4b:s18+s3], $0x80, $0x38;
	[tilespmem:$0x17D00] =	vst v63  }
0x2d: {  	_ =	swait.ge [sflag:s13], $0x80  }
0x2e: {  	[sflag:s13] =	ssyncset.done $0x0  }
0x2f: {  	[sflag:s13] =	ssyncadd.s32 $0xFFFFFF80  }
0x30: {  	[tilespmem:s15], [sflag:$0x1] =	stream.indirect.gather [hbm4b:s4+s14], $0x80, s3, s14, $0xb8;
	[tilespmem:$0x17D00] =	vst v63  }
0x31: {  	_ =	swait.ge [sflag:s16], $0x4000  }
.Ltmp0:
0x32: {  	[sflag:s16] =	ssyncset.done $0x0;
	(pc) =	sbr.rel @p0 .LBB2_2-.Ltmp0, $4  }
0x33: {  	s18 =	sand.u32 $0x3C00, s20;
	[sflag:s16] =	ssyncadd.s32 $0xFFFFC000  }
0x34: {  	[spmem:s2] =	stream.indirect.scatter.add.f32 [tilespmem:s15], [sflag:$0x2], $0x80, s14, s14, $0xb8;
	[tilespmem:$0x17D00] =	vst v63  }
0x35: {  	s19 =	sand.u32 $0x380, s20;
	s18 =	sadd.s32 s9, s18;
	_ =	swait.ge [sflag:s13], $0x4000  }
0x36: {  	s19 =	sor.u32 s19, s18;
	s18 =	smov.u32 s21;
	[sflag:s13] =	ssyncset.done $0x0  }
0x37: {  	s18 =	sshrl.u32 s19, $0x3  }
0x38: {  	[sflag:s13] =	ssyncadd.s32 $0xFFFFC000;
	s19 =	sadd.s32 s5, s18  }
0x39: {  	[tilespmem:s3], [sflag:$0x2] =	stream.linear.gather [hbm4b:s19+s3], $0x80, $0x38;
	[tilespmem:$0x17D00] =	vst v63  }
0x3a: {  	_ =	swait.ge [sflag:s13], $0x80  }
0x3b: {  	[sflag:s13] =	ssyncset.done $0x0  }
0x3c: {  	s18 =	sadd.s32 s6, s18;
	[sflag:s13] =	ssyncadd.s32 $0xFFFFFF80  }
0x3d: {  	[tilespmem:s14], [sflag:$0x2] =	stream.linear.gather [hbm4b:s18+s3], $0x80, $0x38;
	[tilespmem:$0x17D00] =	vst v63  }
0x3e: {  	_ =	swait.ge [sflag:s13], $0x80  }
0x3f: {  	[sflag:s13] =	ssyncset.done $0x0  }
0x40: {  	[sflag:s13] =	ssyncadd.s32 $0xFFFFFF80  }
0x41: {  	[tilespmem:s15], [sflag:$0x1] =	stream.indirect.gather [hbm4b:s4+s14], $0x80, s3, s14, $0xb8;
	[tilespmem:$0x17D00] =	vst v63  }
0x42: {  	_ =	swait.ge [sflag:s16], $0x4000  }
0x43: {  	[sflag:s16] =	ssyncset.done $0x0  }
0x44: {  	[sflag:s16] =	ssyncadd.s32 $0xFFFFC000  }
0x45: {  	[spmem:s2] =	stream.indirect.scatter.add.f32 [tilespmem:s15], [sflag:$0x2], $0x80, s14, s14, $0xb8;
	[tilespmem:$0x17D00] =	vst v63  }
0x46: {  	_ =	swait.ge [sflag:s13], $0x4000  }
0x47: {  	s17 =	sadd.s32 $0x1, s17;
	[sflag:s13] =	ssyncset.done $0x0  }
0x48: {  	p0 =	sne.s32 s17, s11;
	[sflag:s13] =	ssyncadd.s32 $0xFFFFC000  }
.Ltmp1:
0x49: {  	[bflag:$0x0] =	sbarrier.arrive $0xFFFF;
	(pc) =	sbr.rel @p0 .LBB2_1-.Ltmp1, $4  }
0x4a: {  	[hbm:s10], [sflag:s8] =	dma.local [spmem:s12], $0x2780  }
0x4b: {  	_ =	swait.ge [sflag:s13], $0x2780  }
0x4c: {  	[sflag:s13] =	ssyncset.done $0x0  }
0x4d: {  	[sflag:s13] =	ssyncadd.s32 $0xFFFFD880  }
0x4e: {  	_ =	sfence.sel $0x180000  }
0x4f: {  	[bflag:$0x0] =	sbarrier.arrive $0xFFFF  }
0x50: {  	p0 =	sne.s32 s1, $0x0;
	_ =	strace $0x9000004D  }
0x51: {  	s0 =	sadd.s32 @!p0 $0x100000, s0;
	[bflag:$0x2] =	sbarrier.arrive $0xFFFF  }
0x52: {  	[sflag:s0] =	ssyncadd.tile.s32 @!p0 $0x1;
	_ =	shalt  }
.Lfunc_end2:
_tile_overlayer_lowered:
.L_overlay_start_2:
0x53: {  	(tag) =	ssettag $0x2  }
0x54: {  	s0 =	rddreg [dreg:$0x0];
	s2 =	stileid.u32  }
0x55: {  	s1 =	rddreg [dreg:$0x1];
	p0 =	sne.s32 s2, $0x0  }
0x56: {  	s3 =	rddreg [dreg:$0x2];
	[bflag:$0x3] =	sbarrier.arrive $0xFFFF;
	s2 =	simm.s32 @!p0 $0x1C02  }
0x57: {  	[timem:s3], [sflag:s2] =	dma.local @!p0 [hbm:s0], s1  }
0x58: {  	s0 =	simm.s32 @!p0 $0x2  }
0x59: {  	_ =	swait.ge @!p0 [sflag:s0], s1  }
0x5a: {  	s1 =	ssub.s32 @!p0 $0x0, s1;
	[sflag:s0] =	ssyncset.done @!p0 $0x0  }
0x5b: {  	[sflag:s0] =	ssyncadd.s32 @!p0 s1  }
0x5c: {  	[bflag:$0x3] =	sbarrier.arrive $0xFFFF  }
0x5d: {  	_ =	shalt  }

// kernel: kernel.8.cloned.1.call-start
scs
__scs_entry_jumppad:
0x0: {  	(pc) =	sbr.rel $0x88, $3  }
0x1: {  	(tag) =	ssettag $0x0;
	lr =	simm.s32 $0x1  }
0x2: {  	[smem:$0x3F9A] =	sst lr;
	_ =	strace $0xD0000000  }
0x3: {  	_ = 	snop  }
0x4: {  	_ = 	snop  }
0x5: {  	_ = 	snop  }
0x6: {  	_ = 	snop  }
0x7: {  	_ = 	snop  }
__scs_overlays_trampoline_lowered:
0x8: {  	[smem:$0x3FA9] =	sst s0  }
0x9: {  	[smem:$0x3FAA] =	sst s1  }
0xa: {  	[smem:$0x3FAB] =	sst s2  }
0xb: {  	[smem:$0x3FAC] =	sst s3  }
0xc: {  	[smem:$0x3FAD] =	sst s4  }
0xd: {  	[smem:$0x3FAE] =	sst s5  }
0xe: {  	[smem:$0x3FAF] =	sst s6  }
0xf: {  	[smem:$0x3FB0] =	sst s7  }
0x10: {  	[smem:$0x3FB1] =	sst s8  }
0x11: {  	[smem:$0x3FB2] =	sst s9;
	s0 =	simm.s32 @!p0 $0x0  }
0x12: {  	s1 =	sld [smem:$0x3F98];
	s0 =	simm.s32 @p0 $0x1  }
0x13: {  	[smem:$0x3FB3] =	sst s0;
	s0 =	simm.s32 @!p1 $0x0  }
0x14: {  	s2 =	sld [smem:$0x3F97];
	s0 =	simm.s32 @p1 $0x1  }
0x15: {  	[smem:$0x3FB4] =	sst s0;
	s0 =	simm.s32 @!p2 $0x0  }
0x16: {  	s3 =	sld [smem:$0x3FDB];
	s0 =	simm.s32 @p2 $0x1  }
0x17: {  	s4 =	simm.s32 $0x1BF5;
	[smem:$0x3FB6] =	sst s0  }
0x18: {  	s0 =	sld [smem:$0x3F99];
	_ =	swait.ge [sflag:s4], $0x0  }
0x19: {  	s7 =	sld [smem:$0x3F9A]  }
0x1a: {  	s8 =	sadd.s32 $0xFFFFE003, lr  }
0x1b: {  	s9 =	sadd.s32 $0xFFFFFEF7, lr;
	s5 =	simm.s32 $0xFFFFFFFF;
	p2 =	slt.u32 s8, $0xFFFFF086  }
0x1c: {  	p1 =	slt.u32 s9, $0xF7A;
	s5 =	simm.s32 @!p2 $0x0  }
0x1d: {  	s5 =	simm.s32 @p1 $0x1;
	p0 =	seq.s32 s7, s2  }
0x1e: {  	s7 =	smul.u32 @!p0 $0xF7A, s2;
	p2 =	seq.s32 @!p0 s5, $0x0  }
0x1f: {  	s9 =	smul.u32 $0xF7A, s1;
	s8 =	simm.s32 @!p0 $0x1BF5;
	p2 =	por !p2, p0  }
0x20: {  	[sflag:s8] =	ssyncset.s32 @!p0 $0xFFFFF086;
	s6 =	sadd.s32 @!p0 s3, s7;
	s7 =	simm.s32 @!p0 $0x108  }
0x21: {  	s3 =	sadd.s32 s3, s9;
	s6 =	sadd.s32 @!p0 $0x88, s6;
	s7 =	simm.s32 @p2 $0x1082  }
0x22: {  	[simem:s7], [sflag:s8] =	dma.local @!p0 [hbm:s6], $0xF7A  }
0x23: {  	s9 =	sor.u32 $0xD0000000, s2;
	s6 =	simm.s32 $0x108;
	_ =	swait.ge @!p0 [sflag:s8], $0x0  }
0x24: {  	s3 =	sadd.s32 $0x88, s3;
	s6 =	simm.s32 @!p1 $0x1082;
	[sflag:s4] =	ssyncset.s32 $0xFFFFF086  }
0x25: {  	[simem:s6], [sflag:s4] =	dma.local [hbm:s3], $0xF7A  }
0x26: {  	[smem:$0x3F9A] =	sst s1;
	(tag) =	ssettag s2;
	_ =	strace s9  }
0x27: {  	s1 =	sld [smem:$0x3FAA]  }
0x28: {  	s2 =	sld [smem:$0x3FAB]  }
0x29: {  	s4 =	sld [smem:$0x3FAD]  }
0x2a: {  	p0 =	seq.s32 s5, $0x0;
	s5 =	sld [smem:$0x3FAE]  }
0x2b: {  	s6 =	sld [smem:$0x3FAF]  }
0x2c: {  	s7 =	sld [smem:$0x3FB0]  }
0x2d: {  	s3 =	simm.s32 $0x108;
	s8 =	sld [smem:$0x3FB1]  }
0x2e: {  	s3 =	simm.s32 @!p0 $0x1082;
	s9 =	sld [smem:$0x3FB2]  }
0x2f: {  	lr =	sadd.s32 s0, s3;
	s0 =	sld [smem:$0x3FA9]  }
0x30: {  	s3 =	sld [smem:$0x3FAC]  }
0x31: {  	[smem:$0x3FB5] =	sst s10  }
0x32: {  	s10 =	sld [smem:$0x3FB3];
	_ =	sdelay $0x3  }
0x33: {  	p0 =	seq.s32 s10, $0x1;
	s10 =	sld [smem:$0x3FB5];
	_ =	sdelay $0x3  }
0x34: {  	[smem:$0x3FB5] =	sst s10  }
0x35: {  	s10 =	sld [smem:$0x3FB4];
	_ =	sdelay $0x3  }
0x36: {  	p1 =	seq.s32 s10, $0x1;
	s10 =	sld [smem:$0x3FB5];
	_ =	sdelay $0x3  }
0x37: {  	[smem:$0x3FB5] =	sst s10  }
0x38: {  	s10 =	sld [smem:$0x3FB6]  }
0x39: {  	_ = 	snop;
	(pc) =	sbr.ind lr, $3  }
0x3a: {  	_ = 	snop  }
0x3b: {  	_ = 	snop  }
0x3c: {  	p2 =	seq.s32 s10, $0x1;
	s10 =	sld [smem:$0x3FB5]  }
0x3d: {  	_ =	shalt  }
0x3e: {  	_ =	shalt  }
0x3f: {  	_ =	shalt  }
0x40: {  	_ =	shalt  }
0x41: {  	_ =	shalt  }
0x42: {  	_ =	shalt  }
0x43: {  	_ =	shalt  }
0x44: {  	_ =	shalt  }
0x45: {  	_ =	shalt  }
0x46: {  	_ =	shalt  }
0x47: {  	_ =	shalt  }
0x48: {  	_ =	shalt  }
0x49: {  	_ =	shalt  }
0x4a: {  	_ =	shalt  }
0x4b: {  	_ =	shalt  }
0x4c: {  	_ =	shalt  }
0x4d: {  	_ =	shalt  }
0x4e: {  	_ =	shalt  }
0x4f: {  	_ =	shalt  }
0x50: {  	_ =	shalt  }
0x51: {  	_ =	shalt  }
0x52: {  	_ =	shalt  }
0x53: {  	_ =	shalt  }
0x54: {  	_ =	shalt  }
0x55: {  	_ =	shalt  }
0x56: {  	_ =	shalt  }
0x57: {  	_ =	shalt  }
0x58: {  	_ =	shalt  }
0x59: {  	_ =	shalt  }
0x5a: {  	_ =	shalt  }
0x5b: {  	_ =	shalt  }
0x5c: {  	_ =	shalt  }
0x5d: {  	_ =	shalt  }
0x5e: {  	_ =	shalt  }
0x5f: {  	_ =	shalt  }
0x60: {  	_ =	shalt  }
0x61: {  	_ =	shalt  }
0x62: {  	_ =	shalt  }
0x63: {  	_ =	shalt  }
0x64: {  	_ =	shalt  }
0x65: {  	_ =	shalt  }
0x66: {  	_ =	shalt  }
0x67: {  	_ =	shalt  }
0x68: {  	_ =	shalt  }
0x69: {  	_ =	shalt  }
0x6a: {  	_ =	shalt  }
0x6b: {  	_ =	shalt  }
0x6c: {  	_ =	shalt  }
0x6d: {  	_ =	shalt  }
0x6e: {  	_ =	shalt  }
0x6f: {  	_ =	shalt  }
0x70: {  	_ =	shalt  }
0x71: {  	_ =	shalt  }
0x72: {  	_ =	shalt  }
0x73: {  	_ =	shalt  }
0x74: {  	_ =	shalt  }
0x75: {  	_ =	shalt  }
0x76: {  	_ =	shalt  }
0x77: {  	_ =	shalt  }
0x78: {  	_ =	shalt  }
0x79: {  	_ =	shalt  }
0x7a: {  	_ =	shalt  }
0x7b: {  	_ =	shalt  }
0x7c: {  	_ =	shalt  }
0x7d: {  	_ =	shalt  }
0x7e: {  	_ =	shalt  }
0x7f: {  	_ =	shalt  }
0x80: {  	_ =	shalt  }
0x81: {  	_ =	shalt  }
0x82: {  	_ =	shalt  }
0x83: {  	_ =	shalt  }
0x84: {  	_ =	shalt  }
0x85: {  	_ =	shalt  }
0x86: {  	_ =	shalt  }
0x87: {  	_ =	shalt  }
.Lfunc_end0:
.L_simem_size_0:
called_computation_lowered:
.L_overlay_start_0:
0x88: {  	s2 =	sld [smem:$0x3FD9]  }
0x89: {  	s3 =	sld [smem:$0x3FFE];
	_ =	sdelay $0x1  }
0x8a: {  	s1 =	srdreg.scid  }
0x8b: {  	s0 =	sand.u32 $0x1, s1  }
0x8c: {  	s17 =	sshll.u32 s0, $0xA;
	s2 =	sadd.s32 s3, s2  }
0x8d: {  	s2 =	sadd.s32 s2, s17  }
0x8e: {  	[smem:$0x3FC1] =	sst s2  }
0x8f: {  	_ = 	snop  }
0x90: {  	s2 =	sld [smem:$0x3FD0];
	(tm) =	ssettm $0x1  }
0x91: {  	s18 =	sld [smem:$0x3FFB];
	_ =	sdelay $0x3  }
0x92: {  	_ =	strace s18  }
0x93: {  	s3 =	sld [smem:$0x3FFC];
	_ =	sdelay $0x3  }
0x94: {  	_ =	strace s3  }
0x95: {  	s3 =	sld [smem:$0x3FFD];
	_ =	sdelay $0x3  }
0x96: {  	_ =	strace s3  }
0x97: {  	_ =	strace $0x8FFFFFFF  }
0x98: {  	s19 =	sld [smem:$0x3FDB];
	_ =	sdelay $0x1  }
0x99: {  	s4 =	simm.s32 $_scs_section_size  }
0x9a: {  	s5 =	simm.s32 $_size__tile_overlayer_lowered;
	s6 =	simm.s32 $_tile_overlayer_lowered  }
0x9b: {  	s22 =	simm.s32 $0x1BFF;
	s21 =	sshll.u32 s6, $0x1;
	s3 =	sadd.s32 s4, s19  }
0x9c: {  	s7 =	simm.s32 $0x0;
	s20 =	sshll.u32 s5, $0x1;
	s5 =	sadd.s32 s21, s3  }
0x9d: {  	[timem:s7], [sflag:s22] =	dma.local [hbm:s5], s20  }
0x9e: {  	_ =	swait.ge [sflag:s22], s20  }
0x9f: {  	s4 =	ssub.s32 $0x0, s20;
	[sflag:s22] =	ssyncset.done $0x0  }
0xa0: {  	[sflag:s22] =	ssyncadd.s32 s4;
	_ =	sdelay $0x1  }
0xa1: {  	s23 =	simm.s32 $0x1B8B  }
0xa2: {  	_ =	swait.ge [sflag:s23], $0x1  }
0xa3: {  	[sflag:s23] =	ssyncset.done $0x0  }
0xa4: {  	s25 =	simm.s32 $0x1B8E;
	s24 =	sld [smem:$0x3FFE];
	[sflag:s23] =	ssyncadd.s32 $0xFFFFFFFF  }
0xa5: {  	s26 =	simm.s32 $execute0_lowered;
	[smem:$0x3FD2] =	sst s25  }
0xa6: {  	s5 =	sshll.u32 s26, $0x1;
	_ =	strace $0x80000046;
	[dreg:$0x1] =	wrdreg $0xFFFFFFFF  }
0xa7: {  	s28 =	simm.s32 $_size_execute0_lowered;
	s3 =	sadd.s32 s3, s5;
	[dreg:$0x0] =	wrdreg $0x0  }
0xa8: {  	s5 =	sshll.u32 s28, $0x1;
	[dreg:$0x2] =	wrdreg s3  }
0xa9: {  	[dreg:$0x3] =	wrdreg s5  }
0xaa: {  	[dreg:$0x4] =	wrdreg $0xC0  }
0xab: {  	_ =	task [dreg:s7], $0x5FFFF  }
0xac: {  	[dreg:$0x1] =	wrdreg $0xFFFFFFFF  }
0xad: {  	[dreg:$0x0] =	wrdreg $0x60  }
0xae: {  	[dreg:$0x2] =	wrdreg s24  }
0xaf: {  	[dreg:$0x3] =	wrdreg s2  }
0xb0: {  	[dreg:$0x4] =	wrdreg $0x30000  }
0xb1: {  	[dreg:$0x5] =	wrdreg $0x9  }
0xb2: {  	_ =	task.clear_ibuf [dreg:s7], $0x6FFFF;
	_ =	strace $0x90000046  }
0xb3: {  	s29 =	simm.s32 $0x9;
	_ =	strace $0x80000048  }
0xb4: {  	_ =	swait.ge [sflag:s29], $0x1  }
0xb5: {  	[sflag:s29] =	ssyncadd.s32 $0xFFFFFFFF  }
0xb6: {  	_ =	strace $0x90000048  }
0xb7: {  	_ =	sfence  }
0xb8: {  	s30 =	sld [smem:$0x0];
	_ =	sdelay $0x2  }
0xb9: {  	s31 =	sshll.u32 s1, $0xD;
	s1 =	sshrl.u32 s1, $0x2  }
0xba: {  	s3 =	sand.u32 $0x4000, s31;
	s1 =	sadd.s32 s1, s30  }
0xbb: {  	s0 =	sor.u32 s3, s0;
	s1 =	sshll.u32 s1, $0x11  }
0xbc: {  	s0 =	sor.u32 s1, s0  }
0xbd: {  	s0 =	sadd.s32 $0x8F2B, s0  }
0xbe: {  	[sflag:s0] =	ssyncadd.remote.s32 $0x1  }
0xbf: {  	_ =	sfence.sel $0xFFFF  }
0xc0: {  	[dreg:$0x0] =	wrdreg $0xFFFFFFFF;
	(pc) =	sbr.abs _section_cstart, $3  }
0xc1: {  	[dreg:$0x1] =	wrdreg $0xFFFFFFFF  }
0xc2: {  	_ =	task.clear_ibuf [dreg:s7], $0x2FFFF;
	_ =	strace $0x9FFFFFFF  }
0xc3: {  	(tm) =	ssettm $0x7FFFFFFF  }
tec
execute0_lowered:
.L_overlay_start_1:
0x0: {  	(tag) =	ssettag $0x1  }
0x1: {  	s4 =	rddreg [dreg:$0x0]  }
0x2: {  	s1 =	srdreg.scid;
	s8 =	rddreg [dreg:$0x1]  }
0x3: {  	s0 =	stileid.u32;
	s2 =	rddreg [dreg:$0x2];
	s3 =	simm.s32 $0x0  }
0x4: {  	s13 =	simm.s32 $0x80;
	s5 =	sand.u32 $0x1, s1;
	s1 =	rddreg [dreg:$0x3]  }
0x5: {  	s14 =	simm.s32 $0x0;
	s28 =	sshll.u32 s0, $0x1;
	[smem:$0x7FF] =	sst s3  }
0x6: {  	s7 =	smul.u32 $0x2780, s0;
	s31 =	sshll.u32 s0, $0x6;
	s6 =	sor.u32 s5, s28  }
0x7: {  	_ =	strace $0x80000047;
	s10 =	ssub.s32 $0x2, s5;
	s5 =	smul.u32 $0x27800, s5  }
0x8: {  	s6 =	smul.u32 $0x500, s6;
	s29 =	sshrl.u32 s7, $0x3;
	s11 =	sshrl.u32 s10, $0x1  }
0x9: {  	s30 =	sadd.s32 s7, s2;
	s10 =	ssub.s32 s10, s11;
	s7 =	sadd.s32 s7, s5  }
0xa: {  	s11 =	simm.s32 $0x1;
	s9 =	sadd.s32 s6, s4;
	s6 =	sadd.s32 s29, s4  }
0xb: {  	s4 =	sadd.s32 $0xC600, s4;
	s12 =	sshrl.u32 s7, $0x3;
	s5 =	sadd.s32 $0xC800, s6  }
0xc: {  	s6 =	sor.u32 $0x1C01, s31;
	s7 =	sadd.s32 $0x2600, s9;
	s8 =	sadd.s32 s8, s12  }
0xd: {  	s9 =	smax.u32 s10, $0x1;
	s10 =	sshrl.u32 s30, $0x3;
	s12 =	simm.s32 $0x2800  }
.LBB2_1:
0xe: {  	[spmem:s10], [sflag:s6] =	dma.local [hbm:s5], $0x4F0  }
0xf: {  	_ =	swait.ge [sflag:s11], $0x4F0  }
0x10: {  	[sflag:s11] =	ssyncset.done $0x0  }
0x11: {  	[sflag:s11] =	ssyncadd.s32 $0xFFFFFB10  }
0x12: {  	[tilespmem:s12], [sflag:$0x1] =	stream.linear.gather [hbm4b:s4+s3], $0x800, $0x38;
	[tilespmem:$0x5780] =	vst v63  }
0x13: {  	_ =	swait.ge [sflag:s11], $0x800  }
0x14: {  	[sflag:s11] =	ssyncset.done $0x0  }
0x15: {  	[sflag:s11] =	ssyncadd.s32 $0xFFFFF800  }
0x16: {  	[tilespmem:s3], [sflag:$0x1] =	stream.linear.gather [hbm4b:s7+s3], $0x2800, $0x38;
	[tilespmem:$0x5780] =	vst v63  }
0x17: {  	_ =	swait.ge [sflag:s11], $0x2800  }
0x18: {  	[sflag:s11] =	ssyncset.done $0x0  }
0x19: {  	[sflag:s11] =	ssyncadd.s32 $0xFFFFD800  }
0x1a: {  	s15 =	simm.s32 $0x0;
	[bflag:$0x0] =	sbarrier.arrive $0xFFFF  }
0x1b: {  	[spmem:s2] =	stream.indirect.scatter.add.f32 [tilespmem:s12], [sflag:$0x1], $0x10, s15, s13, $0xb8;
	[tilespmem:$0x5780] =	vst v63  }
0x1c: {  	_ =	swait.ge [sflag:s11], $0x800  }
0x1d: {  	s15 =	simm.s32 $0x200;
	[sflag:s11] =	ssyncset.done $0x0  }
.LBB2_2:
0x1e: {  	s16 =	sshra.s32 s15, $0x2;
	[sflag:s11] =	ssyncadd.s32 $0xFFFFF800;
	p0 =	sne.s32 s15, $0x9E00  }
0x1f: {  	[spmem:s2] =	stream.indirect.scatter.add.f32 [tilespmem:s12], [sflag:$0x1], $0x10, s16, s13, $0xb8;
	[tilespmem:$0x5780] =	vst v63  }
.Ltmp0:
0x20: {  	_ = 	snop;
	(pc) =	sbr.rel @p0 .LBB2_2-.Ltmp0, $4  }
0x21: {  	_ = 	snop  }
0x22: {  	s15 =	sadd.s32 $0x200, s15  }
0x23: {  	_ =	swait.ge [sflag:s11], $0x800  }
0x24: {  	[sflag:s11] =	ssyncset.done $0x0  }
0x25: {  	s14 =	sadd.s32 $0x1, s14  }
0x26: {  	[sflag:s11] =	ssyncadd.s32 $0xFFFFF800;
	p0 =	sne.s32 s14, s9  }
.Ltmp1:
0x27: {  	[bflag:$0x0] =	sbarrier.arrive $0xFFFF;
	(pc) =	sbr.rel @p0 .LBB2_1-.Ltmp1, $4  }
0x28: {  	[hbm:s8], [sflag:s6] =	dma.local [spmem:s10], $0x4F0  }
0x29: {  	_ =	swait.ge [sflag:s11], $0x4F0  }
0x2a: {  	[sflag:s11] =	ssyncset.done $0x0  }
0x2b: {  	[sflag:s11] =	ssyncadd.s32 $0xFFFFFB10  }
0x2c: {  	_ =	sfence.sel $0x180000  }
0x2d: {  	[bflag:$0x0] =	sbarrier.arrive $0xFFFF  }
0x2e: {  	p0 =	sne.s32 s0, $0x0;
	_ =	strace $0x90000047  }
0x2f: {  	s0 =	sadd.s32 @!p0 $0x100000, s1;
	[bflag:$0x2] =	sbarrier.arrive $0xFFFF  }
0x30: {  	[sflag:s0] =	ssyncadd.tile.s32 @!p0 $0x1;
	_ =	shalt  }
.Lfunc_end2:
_tile_overlayer_lowered:
.L_overlay_start_2:
0x31: {  	(tag) =	ssettag $0x2  }
0x32: {  	s0 =	rddreg [dreg:$0x0];
	s2 =	stileid.u32  }
0x33: {  	s1 =	rddreg [dreg:$0x1];
	p0 =	sne.s32 s2, $0x0  }
0x34: {  	s3 =	rddreg [dreg:$0x2];
	[bflag:$0x3] =	sbarrier.arrive $0xFFFF;
	s2 =	simm.s32 @!p0 $0x1C01  }
0x35: {  	[timem:s3], [sflag:s2] =	dma.local @!p0 [hbm:s0], s1  }
0x36: {  	s0 =	simm.s32 @!p0 $0x1  }
0x37: {  	_ =	swait.ge @!p0 [sflag:s0], s1  }
0x38: {  	s1 =	ssub.s32 @!p0 $0x0, s1;
	[sflag:s0] =	ssyncset.done @!p0 $0x0  }
0x39: {  	[sflag:s0] =	ssyncadd.s32 @!p0 s1  }
0x3a: {  	[bflag:$0x3] =	sbarrier.arrive $0xFFFF  }
0x3b: {  	_ =	shalt  }

</sc_bundles>
